<compile_context>
chip_gen: v7x
topology: tpu7x:2x2x1
jax: 0.10.2.dev20260603
libtpu: 0.0.44.dev20260713+nightly
codegen_flags: <defaults>
</compile_context>

<pallas_src>
import functools
import math

import jax
import jax.numpy as jnp
from jax import lax
from jax._src import core as jax_core
from jax._src.lib.mlir import ir
from jax._src.pallas.mosaic import sc_lowering as _sc_lowering
from jax._src.state import types as _state_types
from jax.experimental import pallas as pl
from jax.experimental.mosaic.dialects import tpu as _tpu
from jax.experimental.pallas import tpu as pltpu
from jax.experimental.pallas import tpu_sc as plsc

_RW_EFFECTS = {
    _state_types.ReadEffect(0),
    _state_types.ReadEffect(1),
    _state_types.WriteEffect(2),
    _state_types.WriteEffect(3),
}


def _flat_view(ref_val, tile=8):
    ref_ty = ir.MemRefType(ref_val.type)
    total = math.prod(ref_ty.shape)
    if len(ref_ty.shape) == 1:
        return ref_val
    flat_ty = ir.MemRefType.get(
        [total],
        ref_ty.element_type,
        ir.Attribute.parse(f"#tpu.tiled<({tile}),[1]>"),
        ref_ty.memory_space,
    )
    return _tpu.reinterpret_cast(flat_ty, ref_val)


def _effectful_prim(name, abstract_eval_effects):
    p = jax_core.Primitive(name)
    p.multiple_results = True
    p.is_effectful = lambda params: True

    if callable(abstract_eval_effects):

        @p.def_effectful_abstract_eval
        def _(*avals, **params):
            del avals
            return [], abstract_eval_effects(**params)

    else:

        @p.def_effectful_abstract_eval
        def _(*avals, **params):
            del avals, params
            return [], abstract_eval_effects

    return p


_gather_start_p = _effectful_prim("cvconf_flat_gather_start", _RW_EFFECTS)
_gather_wait_p = _effectful_prim("cvconf_flat_gather_wait", _RW_EFFECTS)


@_sc_lowering.register_lowering_rule(_gather_start_p)
def _gather_start_lowering(ctx, table, idx, vals, sem):
    del ctx
    _tpu.enqueue_indirect_dma(
        _flat_view(table),
        _flat_view(vals, tile=128),
        _flat_view(idx, tile=128),
        sem,
        add=False,
    )
    return []


@_sc_lowering.register_lowering_rule(_gather_wait_p)
def _gather_wait_lowering(ctx, table, idx, vals, sem):
    del idx
    del ctx
    _tpu.wait_indirect_dma(sem, _flat_view(table), _flat_view(vals, tile=128))
    return []


@functools.cache
def _sc_gather(N, D, H, W, H_SC):
    info = plsc.get_sparse_core_info()
    NC = info.num_cores
    NW = NC * info.num_subcores

    mesh = plsc.VectorSubcoreMesh(core_axis_name="c", subcore_axis_name="s")

    WPN = NW // N
    ROWS = H_SC // WPN
    assert H_SC % (8 * WPN) == 0
    CR = 8
    CHUNKS = ROWS // CR
    HW = H * W
    GROUPS = CR * W // 16
    XG = W // 16

    @functools.partial(
        pl.kernel,
        mesh=mesh,
        out_type=jax.ShapeDtypeStruct((N, 1, H_SC, W), jnp.float32),
        compiler_params=pltpu.CompilerParams(skip_device_barrier=True),
        scratch_types=[
            pltpu.VMEM((ROWS, W), jnp.float32),
            [pltpu.VMEM((CR, W), jnp.int32) for _ in range(CHUNKS)],
            [pltpu.VMEM((CR, W), jnp.float32) for _ in range(CHUNKS)],
            pltpu.SemaphoreType.DMA,
        ],
    )
    def gather_k(disps_hbm, table_hbm, out_hbm, d_v, idx_cs, vals_cs, sem):
        wid = lax.axis_index("s") * NC + lax.axis_index("c")
        n_i = wid // WPN
        y0 = (wid % WPN) * ROWS
        lane = jnp.arange(16, dtype=jnp.int32)
        plane_base = n_i * (D * HW)

        pltpu.sync_copy(disps_hbm.at[n_i, 0, pl.ds(y0, ROWS), :], d_v)

        for c in range(CHUNKS):
            idx_c = idx_cs[c]

            def compute(i, _, c=c, idx_c=idx_c):
                yy = i // XG
                x0 = (i % XG) * 16
                d16 = d_v[c * CR + yy, pl.ds(x0, 16)]
                di = (d16 + 0.5).astype(jnp.int32)
                di = jnp.minimum(jnp.maximum(di, 0), D - 1)
                y = y0 + c * CR + yy
                t = (y >> 3) * (W // 128) + (x0 >> 7)
                w0 = ((y & 7) << 7) + (x0 & 127)
                s = plane_base + (t << 10) + w0
                idx_c[yy, pl.ds(x0, 16)] = di * HW + (s + lane)
                return 0

            lax.fori_loop(0, GROUPS, compute, 0)
            _gather_start_p.bind(table_hbm, idx_c, vals_cs[c], sem)

        for c in range(CHUNKS):
            _gather_wait_p.bind(table_hbm, idx_cs[c], vals_cs[c], sem)
            pltpu.sync_copy(
                vals_cs[c], out_hbm.at[n_i, 0, pl.ds(y0 + c * CR, CR), :]
            )

    return gather_k


def kernel(prob_volume, disps):
    N, D, H, W = prob_volume.shape
    assert H % 8 == 0 and W % 128 == 0
    return _sc_gather(N, D, H, W, H)(disps, prob_volume)

# --- scband reference (transcript-rebuilt; emitter-appended) ---
"""Pipeline reference for scband-cv-confidence-15015205667394 (READ-ONLY COPY).

The authoritative reference and input builder live on the scoring server;
editing this copy changes nothing except your own understanding.
"""

import jax, jax.numpy as jnp
import numpy as np

N, D, H, W = 4, 64, 384, 512

def setup_inputs(seed: int = 0) -> dict:
    key = jax.random.key(seed)
    k1, k2 = jax.random.split(key)
    prob_volume = jax.random.uniform(k1, (N, D, H, W), dtype=jnp.float32)
    disps = jax.random.randint(k2, (N, 1, H, W), 0, D).astype(jnp.float32)
    return {"prob_volume": prob_volume, "disps": disps}

def reference(prob_volume, disps):
    # Faithful translation of CvConfidence.forward:
    # cv_confidence[n, 0, y, x] = prob_volume[n, round(disps[n,0,y,x]), y, x]
    idx = jnp.round(disps).astype(jnp.int32)  # [N, 1, H, W]
    cv_confidence = jnp.take_along_axis(prob_volume, idx, axis=1)  # [N, 1, H, W]
    return cv_confidence

if __name__ == "__main__":
    import jax
    _d = setup_inputs()
    print(jax.jit(kernel)(*tuple(_d.values())))

</pallas_src>

<mosaic_0001>
#map = affine_map<(d0, d1) -> (0, 0, 0, 0)>
module attributes {stable_mosaic.version = 14 : i64} {
  func.func @gather_k(%arg0: i32, %arg1: i32, %arg2: memref<4x1x384x512xf32, #tpu.memory_space<hbm>>, %arg3: memref<4x64x384x512xf32, #tpu.memory_space<hbm>>, %arg4: memref<4x1x384x512xf32, #tpu.memory_space<hbm>>, %arg5: memref<48x512xf32, #tpu.memory_space<vmem>>, %arg6: memref<8x512xi32, #tpu.memory_space<vmem>>, %arg7: memref<8x512xi32, #tpu.memory_space<vmem>>, %arg8: memref<8x512xi32, #tpu.memory_space<vmem>>, %arg9: memref<8x512xi32, #tpu.memory_space<vmem>>, %arg10: memref<8x512xi32, #tpu.memory_space<vmem>>, %arg11: memref<8x512xi32, #tpu.memory_space<vmem>>, %arg12: memref<8x512xf32, #tpu.memory_space<vmem>>, %arg13: memref<8x512xf32, #tpu.memory_space<vmem>>, %arg14: memref<8x512xf32, #tpu.memory_space<vmem>>, %arg15: memref<8x512xf32, #tpu.memory_space<vmem>>, %arg16: memref<8x512xf32, #tpu.memory_space<vmem>>, %arg17: memref<8x512xf32, #tpu.memory_space<vmem>>, %arg18: memref<!tpu.dma_semaphore, #tpu.memory_space<semaphore_mem>>) attributes {dimension_semantics = [#tpu.dimension_semantics<core_parallel>, #tpu.dimension_semantics<subcore_parallel>], iteration_bounds = array<i64: 2, 16>, scalar_prefetch = 0 : i64, scratch_operands = 14 : i64, tpu.core_type = #tpu.core_type<sc_vector_subcore>, window_params = [{transform_indices = #map}, {transform_indices = #map}, {transform_indices = #map}]} {
    %mul3A = arith.constant 2 : i32
    %mul3A_0 = arith.muli %arg1, %mul3A : i32
    %add3A = arith.addi %mul3A_0, %arg0 : i32
    %jit3A = arith.constant 8 : i32
    %div3A = arith.divsi %add3A, %jit3A : i32
    %sign3A = arith.constant 0 : i32
    %sign3A_1 = arith.cmpi sgt, %add3A, %sign3A : i32
    %sign3A_2 = arith.extui %sign3A_1 : i1 to i32
    %sign3A_3 = arith.constant 0 : i32
    %sign3A_4 = arith.cmpi slt, %add3A, %sign3A_3 : i32
    %sign3A_5 = arith.extui %sign3A_4 : i1 to i32
    %sign3A_6 = arith.subi %sign3A_2, %sign3A_5 : i32
    %sign3A_7 = arith.constant 0 : i32
    %sign3A_8 = arith.cmpi sgt, %jit3A, %sign3A_7 : i32
    %sign3A_9 = arith.extui %sign3A_8 : i1 to i32
    %sign3A_10 = arith.constant 0 : i32
    %sign3A_11 = arith.cmpi slt, %jit3A, %sign3A_10 : i32
    %sign3A_12 = arith.extui %sign3A_11 : i1 to i32
    %sign3A_13 = arith.subi %sign3A_9, %sign3A_12 : i32
    %ne3A = arith.cmpi ne, %sign3A_6, %sign3A_13 : i32
    %rem3A = arith.remsi %add3A, %jit3A : i32
    %ne3A_14 = arith.constant 0 : i32
    %ne3A_15 = arith.cmpi ne, %rem3A, %ne3A_14 : i32
    %and3A = arith.andi %ne3A, %ne3A_15 : i1
    %sub3A = arith.constant 1 : i32
    %sub3A_16 = arith.subi %div3A, %sub3A : i32
    %select_n3A = arith.select %and3A, %sub3A_16, %div3A : i32
    %jit3A_17 = arith.constant 8 : i32
    %eq3A = arith.constant 0 : i32
    %eq3A_18 = arith.cmpi eq, %jit3A_17, %eq3A : i32
    %jit3A_19 = arith.constant 1 : i32
    %select_n3A_20 = arith.select %eq3A_18, %jit3A_19, %jit3A_17 : i32
    %rem3A_21 = arith.remsi %add3A, %select_n3A_20 : i32
    %ne3A_22 = arith.constant 0 : i32
    %ne3A_23 = arith.cmpi ne, %rem3A_21, %ne3A_22 : i32
    %lt3A = arith.constant 0 : i32
    %lt3A_24 = arith.cmpi slt, %rem3A_21, %lt3A : i32
    %lt3A_25 = arith.constant 0 : i32
    %lt3A_26 = arith.cmpi slt, %select_n3A_20, %lt3A_25 : i32
    %ne3A_27 = arith.xori %lt3A_24, %lt3A_26 : i1
    %and3A_28 = arith.andi %ne3A_27, %ne3A_23 : i1
    %add3A_29 = arith.addi %rem3A_21, %select_n3A_20 : i32
    %select_n3A_30 = arith.select %and3A_28, %add3A_29, %rem3A_21 : i32
    %mul3A_31 = arith.constant 48 : i32
    %mul3A_32 = arith.muli %select_n3A_30, %mul3A_31 : i32
    %iota3A = tpu.iota {dimensions = array<i32: 0>} : vector<16xi32>
    %mul3A_33 = arith.constant 12582912 : i32
    %mul3A_34 = arith.muli %select_n3A, %mul3A_33 : i32
    %run_scoped3A = arith.constant 0 : i32
    "tpu.region"() ({
      %run_scoped3A_122 = tpu.sem_alloc : memref<!tpu.dma_semaphore, #tpu.memory_space<semaphore_mem>>
      %dma_start3A = arith.constant 0 : i32
      %dma_start3A_123 = tpu.memref_slice %arg2[%select_n3A, %run_scoped3A, %mul3A_32, %dma_start3A] : memref<4x1x384x512xf32, #tpu.memory_space<hbm>> -> memref<1x1x48x512xf32, #tpu.memory_space<hbm>>
      %dma_start3A_124 = tpu.memref_squeeze %dma_start3A_123 : memref<1x1x48x512xf32, #tpu.memory_space<hbm>> -> memref<48x512xf32, #tpu.memory_space<hbm>>
      %dma_start3A_125 = arith.constant 0 : i32
      %dma_start3A_126 = tpu.memref_slice %arg2[%select_n3A, %run_scoped3A, %mul3A_32, %dma_start3A_125] : memref<4x1x384x512xf32, #tpu.memory_space<hbm>> -> memref<1x1x48x512xf32, #tpu.memory_space<hbm>>
      %dma_start3A_127 = tpu.memref_squeeze %dma_start3A_126 : memref<1x1x48x512xf32, #tpu.memory_space<hbm>> -> memref<48x512xf32, #tpu.memory_space<hbm>>
      tpu.enqueue_dma source(%dma_start3A_127 : memref<48x512xf32, #tpu.memory_space<hbm>>) target(%arg5 : memref<48x512xf32, #tpu.memory_space<vmem>>) target_semaphore(%run_scoped3A_122 : memref<!tpu.dma_semaphore, #tpu.memory_space<semaphore_mem>>)
      %dma_wait3A = arith.constant 0 : i32
      %dma_wait3A_128 = tpu.memref_slice %arg2[%select_n3A, %run_scoped3A, %mul3A_32, %dma_wait3A] : memref<4x1x384x512xf32, #tpu.memory_space<hbm>> -> memref<1x1x48x512xf32, #tpu.memory_space<hbm>>
      %dma_wait3A_129 = tpu.memref_squeeze %dma_wait3A_128 : memref<1x1x48x512xf32, #tpu.memory_space<hbm>> -> memref<48x512xf32, #tpu.memory_space<hbm>>
      %dma_wait3A_130 = arith.constant 0 : i32
      %dma_wait3A_131 = tpu.memref_slice %arg2[%select_n3A, %run_scoped3A, %mul3A_32, %dma_wait3A_130] : memref<4x1x384x512xf32, #tpu.memory_space<hbm>> -> memref<1x1x48x512xf32, #tpu.memory_space<hbm>>
      %dma_wait3A_132 = tpu.memref_squeeze %dma_wait3A_131 : memref<1x1x48x512xf32, #tpu.memory_space<hbm>> -> memref<48x512xf32, #tpu.memory_space<hbm>>
      tpu.wait_dma2 semaphore(%run_scoped3A_122 : memref<!tpu.dma_semaphore, #tpu.memory_space<semaphore_mem>>) src(%dma_wait3A_132 : memref<48x512xf32, #tpu.memory_space<hbm>>) dst(%arg5 : memref<48x512xf32, #tpu.memory_space<vmem>>)
      tpu.yield
    }) : () -> ()
    %scan3A = arith.constant 0 : i32
    %scan3A_35 = arith.constant 0 : i32
    %scan3A_36 = arith.constant 256 : i32
    %scan3A_37 = arith.addi %scan3A_35, %scan3A_36 : i32
    %scan3A_38 = arith.constant 1 : i32
    %scan3A_39 = scf.for %scan3A_122 = %scan3A_35 to %scan3A_37 step %scan3A_38 iter_args(%scan3A_123 = %scan3A) -> (i32)  : i32 {
      %jit3A_124 = arith.constant 32 : i32
      %div3A_125 = arith.divsi %scan3A_122, %jit3A_124 : i32
      %sign3A_126 = arith.constant 0 : i32
      %sign3A_127 = arith.cmpi sgt, %scan3A_122, %sign3A_126 : i32
      %sign3A_128 = arith.extui %sign3A_127 : i1 to i32
      %sign3A_129 = arith.constant 0 : i32
      %sign3A_130 = arith.cmpi slt, %scan3A_122, %sign3A_129 : i32
      %sign3A_131 = arith.extui %sign3A_130 : i1 to i32
      %sign3A_132 = arith.subi %sign3A_128, %sign3A_131 : i32
      %sign3A_133 = arith.constant 0 : i32
      %sign3A_134 = arith.cmpi sgt, %jit3A_124, %sign3A_133 : i32
      %sign3A_135 = arith.extui %sign3A_134 : i1 to i32
      %sign3A_136 = arith.constant 0 : i32
      %sign3A_137 = arith.cmpi slt, %jit3A_124, %sign3A_136 : i32
      %sign3A_138 = arith.extui %sign3A_137 : i1 to i32
      %sign3A_139 = arith.subi %sign3A_135, %sign3A_138 : i32
      %ne3A_140 = arith.cmpi ne, %sign3A_132, %sign3A_139 : i32
      %rem3A_141 = arith.remsi %scan3A_122, %jit3A_124 : i32
      %ne3A_142 = arith.constant 0 : i32
      %ne3A_143 = arith.cmpi ne, %rem3A_141, %ne3A_142 : i32
      %and3A_144 = arith.andi %ne3A_140, %ne3A_143 : i1
      %sub3A_145 = arith.constant 1 : i32
      %sub3A_146 = arith.subi %div3A_125, %sub3A_145 : i32
      %select_n3A_147 = arith.select %and3A_144, %sub3A_146, %div3A_125 : i32
      %jit3A_148 = arith.constant 32 : i32
      %eq3A_149 = arith.constant 0 : i32
      %eq3A_150 = arith.cmpi eq, %jit3A_148, %eq3A_149 : i32
      %jit3A_151 = arith.constant 1 : i32
      %select_n3A_152 = arith.select %eq3A_150, %jit3A_151, %jit3A_148 : i32
      %rem3A_153 = arith.remsi %scan3A_122, %select_n3A_152 : i32
      %ne3A_154 = arith.constant 0 : i32
      %ne3A_155 = arith.cmpi ne, %rem3A_153, %ne3A_154 : i32
      %lt3A_156 = arith.constant 0 : i32
      %lt3A_157 = arith.cmpi slt, %rem3A_153, %lt3A_156 : i32
      %lt3A_158 = arith.constant 0 : i32
      %lt3A_159 = arith.cmpi slt, %select_n3A_152, %lt3A_158 : i32
      %ne3A_160 = arith.xori %lt3A_157, %lt3A_159 : i1
      %and3A_161 = arith.andi %ne3A_160, %ne3A_155 : i1
      %add3A_162 = arith.addi %rem3A_153, %select_n3A_152 : i32
      %select_n3A_163 = arith.select %and3A_161, %add3A_162, %rem3A_153 : i32
      %mul3A_164 = arith.constant 16 : i32
      %mul3A_165 = arith.muli %select_n3A_163, %mul3A_164 : i32
      %add3A_166 = arith.constant 0 : i32
      %add3A_167 = arith.addi %add3A_166, %select_n3A_147 : i32
      %get3A = arith.index_cast %add3A_167 : i32 to index
      %get3A_168 = arith.index_cast %mul3A_165 : i32 to index
      %get3A_169 = tpu.vector_load %arg5[%get3A, %get3A_168] {strides = array<i32>} : memref<48x512xf32, #tpu.memory_space<vmem>>, vector<1x16xf32>,
      %get3A_170 = vector.shape_cast %get3A_169 : vector<1x16xf32> to vector<16xf32>
      %add3A_171 = arith.constant 5.000000e-01 : f32
      %add3A_172 = vector.broadcast %add3A_171 : f32 to vector<16xf32>
      %add3A_173 = arith.addf %get3A_170, %add3A_172 : vector<16xf32>
      %convert_element_type3A = arith.fptosi %add3A_173 : vector<16xf32> to vector<16xi32>
      %max3A = arith.constant 0 : i32
      %max3A_174 = vector.broadcast %max3A : i32 to vector<16xi32>
      %max3A_175 = arith.maxsi %convert_element_type3A, %max3A_174 : vector<16xi32>
      %min3A = arith.constant 63 : i32
      %min3A_176 = vector.broadcast %min3A : i32 to vector<16xi32>
      %min3A_177 = arith.minsi %max3A_175, %min3A_176 : vector<16xi32>
      %add3A_178 = arith.constant 0 : i32
      %add3A_179 = arith.addi %mul3A_32, %add3A_178 : i32
      %add3A_180 = arith.addi %add3A_179, %select_n3A_147 : i32
      %shift_right_arithmetic3A = arith.constant 3 : i32
      %shift_right_arithmetic3A_181 = arith.shrsi %add3A_180, %shift_right_arithmetic3A : i32
      %mul3A_182 = arith.constant 4 : i32
      %mul3A_183 = arith.muli %shift_right_arithmetic3A_181, %mul3A_182 : i32
      %shift_right_arithmetic3A_184 = arith.constant 7 : i32
      %shift_right_arithmetic3A_185 = arith.shrsi %mul3A_165, %shift_right_arithmetic3A_184 : i32
      %add3A_186 = arith.addi %mul3A_183, %shift_right_arithmetic3A_185 : i32
      %and3A_187 = arith.constant 7 : i32
      %and3A_188 = arith.andi %add3A_180, %and3A_187 : i32
      %shift_left3A = arith.constant 7 : i32
      %shift_left3A_189 = arith.shli %and3A_188, %shift_left3A : i32
      %and3A_190 = arith.constant 127 : i32
      %and3A_191 = arith.andi %mul3A_165, %and3A_190 : i32
      %add3A_192 = arith.addi %shift_left3A_189, %and3A_191 : i32
      %shift_left3A_193 = arith.constant 10 : i32
      %shift_left3A_194 = arith.shli %add3A_186, %shift_left3A_193 : i32
      %add3A_195 = arith.addi %mul3A_34, %shift_left3A_194 : i32
      %add3A_196 = arith.addi %add3A_195, %add3A_192 : i32
      %mul3A_197 = arith.constant 196608 : i32
      %mul3A_198 = vector.broadcast %mul3A_197 : i32 to vector<16xi32>
      %mul3A_199 = arith.muli %min3A_177, %mul3A_198 : vector<16xi32>
      %add3A_200 = vector.broadcast %add3A_196 : i32 to vector<16xi32>
      %add3A_201 = arith.addi %add3A_200, %iota3A : vector<16xi32>
      %add3A_202 = arith.addi %mul3A_199, %add3A_201 : vector<16xi32>
      %swap3A = arith.index_cast %select_n3A_147 : i32 to index
      %swap3A_203 = arith.index_cast %mul3A_165 : i32 to index
      %swap3A_204 = tpu.vector_load %arg6[%swap3A, %swap3A_203] {strides = array<i32>} : memref<8x512xi32, #tpu.memory_space<vmem>>, vector<1x16xi32>,
      %swap3A_205 = vector.shape_cast %swap3A_204 : vector<1x16xi32> to vector<16xi32>
      %swap3A_206 = vector.shape_cast %add3A_202 : vector<16xi32> to vector<1x16xi32>
      tpu.vector_store %arg6[%swap3A, %swap3A_203], %swap3A_206 {strides = array<i32>} : memref<8x512xi32, #tpu.memory_space<vmem>>, vector<1x16xi32>,
      %scan3A_207 = arith.constant 0 : i32
      scf.yield %scan3A_207 : i32
    }
    %scan3A_40 = arith.constant 256 : i32
    %cvconf_flat_gather_start3A = tpu.reinterpret_cast %arg3 : memref<4x64x384x512xf32, #tpu.memory_space<hbm>> -> memref<50331648xf32, #tpu.tiled<(8),[1]>, #tpu.memory_space<hbm>>
    %cvconf_flat_gather_start3A_41 = tpu.reinterpret_cast %arg12 : memref<8x512xf32, #tpu.memory_space<vmem>> -> memref<4096xf32, #tpu.tiled<(128),[1]>, #tpu.memory_space<vmem>>
    %cvconf_flat_gather_start3A_42 = tpu.reinterpret_cast %arg6 : memref<8x512xi32, #tpu.memory_space<vmem>> -> memref<4096xi32, #tpu.tiled<(128),[1]>, #tpu.memory_space<vmem>>
    tpu.enqueue_indirect_dma source(%cvconf_flat_gather_start3A : memref<50331648xf32, #tpu.tiled<(8),[1]>, #tpu.memory_space<hbm>>) target(%cvconf_flat_gather_start3A_41 : memref<4096xf32, #tpu.tiled<(128),[1]>, #tpu.memory_space<vmem>>) offsets(%cvconf_flat_gather_start3A_42 : memref<4096xi32, #tpu.tiled<(128),[1]>, #tpu.memory_space<vmem>>) semaphore(%arg18 : memref<!tpu.dma_semaphore, #tpu.memory_space<semaphore_mem>>)
    %scan3A_43 = arith.constant 0 : i32
    %scan3A_44 = arith.constant 0 : i32
    %scan3A_45 = arith.constant 256 : i32
    %scan3A_46 = arith.addi %scan3A_44, %scan3A_45 : i32
    %scan3A_47 = arith.constant 1 : i32
    %scan3A_48 = scf.for %scan3A_122 = %scan3A_44 to %scan3A_46 step %scan3A_47 iter_args(%scan3A_123 = %scan3A_43) -> (i32)  : i32 {
      %jit3A_124 = arith.constant 32 : i32
      %div3A_125 = arith.divsi %scan3A_122, %jit3A_124 : i32
      %sign3A_126 = arith.constant 0 : i32
      %sign3A_127 = arith.cmpi sgt, %scan3A_122, %sign3A_126 : i32
      %sign3A_128 = arith.extui %sign3A_127 : i1 to i32
      %sign3A_129 = arith.constant 0 : i32
      %sign3A_130 = arith.cmpi slt, %scan3A_122, %sign3A_129 : i32
      %sign3A_131 = arith.extui %sign3A_130 : i1 to i32
      %sign3A_132 = arith.subi %sign3A_128, %sign3A_131 : i32
      %sign3A_133 = arith.constant 0 : i32
      %sign3A_134 = arith.cmpi sgt, %jit3A_124, %sign3A_133 : i32
      %sign3A_135 = arith.extui %sign3A_134 : i1 to i32
      %sign3A_136 = arith.constant 0 : i32
      %sign3A_137 = arith.cmpi slt, %jit3A_124, %sign3A_136 : i32
      %sign3A_138 = arith.extui %sign3A_137 : i1 to i32
      %sign3A_139 = arith.subi %sign3A_135, %sign3A_138 : i32
      %ne3A_140 = arith.cmpi ne, %sign3A_132, %sign3A_139 : i32
      %rem3A_141 = arith.remsi %scan3A_122, %jit3A_124 : i32
      %ne3A_142 = arith.constant 0 : i32
      %ne3A_143 = arith.cmpi ne, %rem3A_141, %ne3A_142 : i32
      %and3A_144 = arith.andi %ne3A_140, %ne3A_143 : i1
      %sub3A_145 = arith.constant 1 : i32
      %sub3A_146 = arith.subi %div3A_125, %sub3A_145 : i32
      %select_n3A_147 = arith.select %and3A_144, %sub3A_146, %div3A_125 : i32
      %jit3A_148 = arith.constant 32 : i32
      %eq3A_149 = arith.constant 0 : i32
      %eq3A_150 = arith.cmpi eq, %jit3A_148, %eq3A_149 : i32
      %jit3A_151 = arith.constant 1 : i32
      %select_n3A_152 = arith.select %eq3A_150, %jit3A_151, %jit3A_148 : i32
      %rem3A_153 = arith.remsi %scan3A_122, %select_n3A_152 : i32
      %ne3A_154 = arith.constant 0 : i32
      %ne3A_155 = arith.cmpi ne, %rem3A_153, %ne3A_154 : i32
      %lt3A_156 = arith.constant 0 : i32
      %lt3A_157 = arith.cmpi slt, %rem3A_153, %lt3A_156 : i32
      %lt3A_158 = arith.constant 0 : i32
      %lt3A_159 = arith.cmpi slt, %select_n3A_152, %lt3A_158 : i32
      %ne3A_160 = arith.xori %lt3A_157, %lt3A_159 : i1
      %and3A_161 = arith.andi %ne3A_160, %ne3A_155 : i1
      %add3A_162 = arith.addi %rem3A_153, %select_n3A_152 : i32
      %select_n3A_163 = arith.select %and3A_161, %add3A_162, %rem3A_153 : i32
      %mul3A_164 = arith.constant 16 : i32
      %mul3A_165 = arith.muli %select_n3A_163, %mul3A_164 : i32
      %add3A_166 = arith.constant 8 : i32
      %add3A_167 = arith.addi %add3A_166, %select_n3A_147 : i32
      %get3A = arith.index_cast %add3A_167 : i32 to index
      %get3A_168 = arith.index_cast %mul3A_165 : i32 to index
      %get3A_169 = tpu.vector_load %arg5[%get3A, %get3A_168] {strides = array<i32>} : memref<48x512xf32, #tpu.memory_space<vmem>>, vector<1x16xf32>,
      %get3A_170 = vector.shape_cast %get3A_169 : vector<1x16xf32> to vector<16xf32>
      %add3A_171 = arith.constant 5.000000e-01 : f32
      %add3A_172 = vector.broadcast %add3A_171 : f32 to vector<16xf32>
      %add3A_173 = arith.addf %get3A_170, %add3A_172 : vector<16xf32>
      %convert_element_type3A = arith.fptosi %add3A_173 : vector<16xf32> to vector<16xi32>
      %max3A = arith.constant 0 : i32
      %max3A_174 = vector.broadcast %max3A : i32 to vector<16xi32>
      %max3A_175 = arith.maxsi %convert_element_type3A, %max3A_174 : vector<16xi32>
      %min3A = arith.constant 63 : i32
      %min3A_176 = vector.broadcast %min3A : i32 to vector<16xi32>
      %min3A_177 = arith.minsi %max3A_175, %min3A_176 : vector<16xi32>
      %add3A_178 = arith.constant 8 : i32
      %add3A_179 = arith.addi %mul3A_32, %add3A_178 : i32
      %add3A_180 = arith.addi %add3A_179, %select_n3A_147 : i32
      %shift_right_arithmetic3A = arith.constant 3 : i32
      %shift_right_arithmetic3A_181 = arith.shrsi %add3A_180, %shift_right_arithmetic3A : i32
      %mul3A_182 = arith.constant 4 : i32
      %mul3A_183 = arith.muli %shift_right_arithmetic3A_181, %mul3A_182 : i32
      %shift_right_arithmetic3A_184 = arith.constant 7 : i32
      %shift_right_arithmetic3A_185 = arith.shrsi %mul3A_165, %shift_right_arithmetic3A_184 : i32
      %add3A_186 = arith.addi %mul3A_183, %shift_right_arithmetic3A_185 : i32
      %and3A_187 = arith.constant 7 : i32
      %and3A_188 = arith.andi %add3A_180, %and3A_187 : i32
      %shift_left3A = arith.constant 7 : i32
      %shift_left3A_189 = arith.shli %and3A_188, %shift_left3A : i32
      %and3A_190 = arith.constant 127 : i32
      %and3A_191 = arith.andi %mul3A_165, %and3A_190 : i32
      %add3A_192 = arith.addi %shift_left3A_189, %and3A_191 : i32
      %shift_left3A_193 = arith.constant 10 : i32
      %shift_left3A_194 = arith.shli %add3A_186, %shift_left3A_193 : i32
      %add3A_195 = arith.addi %mul3A_34, %shift_left3A_194 : i32
      %add3A_196 = arith.addi %add3A_195, %add3A_192 : i32
      %mul3A_197 = arith.constant 196608 : i32
      %mul3A_198 = vector.broadcast %mul3A_197 : i32 to vector<16xi32>
      %mul3A_199 = arith.muli %min3A_177, %mul3A_198 : vector<16xi32>
      %add3A_200 = vector.broadcast %add3A_196 : i32 to vector<16xi32>
      %add3A_201 = arith.addi %add3A_200, %iota3A : vector<16xi32>
      %add3A_202 = arith.addi %mul3A_199, %add3A_201 : vector<16xi32>
      %swap3A = arith.index_cast %select_n3A_147 : i32 to index
      %swap3A_203 = arith.index_cast %mul3A_165 : i32 to index
      %swap3A_204 = tpu.vector_load %arg7[%swap3A, %swap3A_203] {strides = array<i32>} : memref<8x512xi32, #tpu.memory_space<vmem>>, vector<1x16xi32>,
      %swap3A_205 = vector.shape_cast %swap3A_204 : vector<1x16xi32> to vector<16xi32>
      %swap3A_206 = vector.shape_cast %add3A_202 : vector<16xi32> to vector<1x16xi32>
      tpu.vector_store %arg7[%swap3A, %swap3A_203], %swap3A_206 {strides = array<i32>} : memref<8x512xi32, #tpu.memory_space<vmem>>, vector<1x16xi32>,
      %scan3A_207 = arith.constant 0 : i32
      scf.yield %scan3A_207 : i32
    }
    %scan3A_49 = arith.constant 256 : i32
    %cvconf_flat_gather_start3A_50 = tpu.reinterpret_cast %arg3 : memref<4x64x384x512xf32, #tpu.memory_space<hbm>> -> memref<50331648xf32, #tpu.tiled<(8),[1]>, #tpu.memory_space<hbm>>
    %cvconf_flat_gather_start3A_51 = tpu.reinterpret_cast %arg13 : memref<8x512xf32, #tpu.memory_space<vmem>> -> memref<4096xf32, #tpu.tiled<(128),[1]>, #tpu.memory_space<vmem>>
    %cvconf_flat_gather_start3A_52 = tpu.reinterpret_cast %arg7 : memref<8x512xi32, #tpu.memory_space<vmem>> -> memref<4096xi32, #tpu.tiled<(128),[1]>, #tpu.memory_space<vmem>>
    tpu.enqueue_indirect_dma source(%cvconf_flat_gather_start3A_50 : memref<50331648xf32, #tpu.tiled<(8),[1]>, #tpu.memory_space<hbm>>) target(%cvconf_flat_gather_start3A_51 : memref<4096xf32, #tpu.tiled<(128),[1]>, #tpu.memory_space<vmem>>) offsets(%cvconf_flat_gather_start3A_52 : memref<4096xi32, #tpu.tiled<(128),[1]>, #tpu.memory_space<vmem>>) semaphore(%arg18 : memref<!tpu.dma_semaphore, #tpu.memory_space<semaphore_mem>>)
    %scan3A_53 = arith.constant 0 : i32
    %scan3A_54 = arith.constant 0 : i32
    %scan3A_55 = arith.constant 256 : i32
    %scan3A_56 = arith.addi %scan3A_54, %scan3A_55 : i32
    %scan3A_57 = arith.constant 1 : i32
    %scan3A_58 = scf.for %scan3A_122 = %scan3A_54 to %scan3A_56 step %scan3A_57 iter_args(%scan3A_123 = %scan3A_53) -> (i32)  : i32 {
      %jit3A_124 = arith.constant 32 : i32
      %div3A_125 = arith.divsi %scan3A_122, %jit3A_124 : i32
      %sign3A_126 = arith.constant 0 : i32
      %sign3A_127 = arith.cmpi sgt, %scan3A_122, %sign3A_126 : i32
      %sign3A_128 = arith.extui %sign3A_127 : i1 to i32
      %sign3A_129 = arith.constant 0 : i32
      %sign3A_130 = arith.cmpi slt, %scan3A_122, %sign3A_129 : i32
      %sign3A_131 = arith.extui %sign3A_130 : i1 to i32
      %sign3A_132 = arith.subi %sign3A_128, %sign3A_131 : i32
      %sign3A_133 = arith.constant 0 : i32
      %sign3A_134 = arith.cmpi sgt, %jit3A_124, %sign3A_133 : i32
      %sign3A_135 = arith.extui %sign3A_134 : i1 to i32
      %sign3A_136 = arith.constant 0 : i32
      %sign3A_137 = arith.cmpi slt, %jit3A_124, %sign3A_136 : i32
      %sign3A_138 = arith.extui %sign3A_137 : i1 to i32
      %sign3A_139 = arith.subi %sign3A_135, %sign3A_138 : i32
      %ne3A_140 = arith.cmpi ne, %sign3A_132, %sign3A_139 : i32
      %rem3A_141 = arith.remsi %scan3A_122, %jit3A_124 : i32
      %ne3A_142 = arith.constant 0 : i32
      %ne3A_143 = arith.cmpi ne, %rem3A_141, %ne3A_142 : i32
      %and3A_144 = arith.andi %ne3A_140, %ne3A_143 : i1
      %sub3A_145 = arith.constant 1 : i32
      %sub3A_146 = arith.subi %div3A_125, %sub3A_145 : i32
      %select_n3A_147 = arith.select %and3A_144, %sub3A_146, %div3A_125 : i32
      %jit3A_148 = arith.constant 32 : i32
      %eq3A_149 = arith.constant 0 : i32
      %eq3A_150 = arith.cmpi eq, %jit3A_148, %eq3A_149 : i32
      %jit3A_151 = arith.constant 1 : i32
      %select_n3A_152 = arith.select %eq3A_150, %jit3A_151, %jit3A_148 : i32
      %rem3A_153 = arith.remsi %scan3A_122, %select_n3A_152 : i32
      %ne3A_154 = arith.constant 0 : i32
      %ne3A_155 = arith.cmpi ne, %rem3A_153, %ne3A_154 : i32
      %lt3A_156 = arith.constant 0 : i32
      %lt3A_157 = arith.cmpi slt, %rem3A_153, %lt3A_156 : i32
      %lt3A_158 = arith.constant 0 : i32
      %lt3A_159 = arith.cmpi slt, %select_n3A_152, %lt3A_158 : i32
      %ne3A_160 = arith.xori %lt3A_157, %lt3A_159 : i1
      %and3A_161 = arith.andi %ne3A_160, %ne3A_155 : i1
      %add3A_162 = arith.addi %rem3A_153, %select_n3A_152 : i32
      %select_n3A_163 = arith.select %and3A_161, %add3A_162, %rem3A_153 : i32
      %mul3A_164 = arith.constant 16 : i32
      %mul3A_165 = arith.muli %select_n3A_163, %mul3A_164 : i32
      %add3A_166 = arith.constant 16 : i32
      %add3A_167 = arith.addi %add3A_166, %select_n3A_147 : i32
      %get3A = arith.index_cast %add3A_167 : i32 to index
      %get3A_168 = arith.index_cast %mul3A_165 : i32 to index
      %get3A_169 = tpu.vector_load %arg5[%get3A, %get3A_168] {strides = array<i32>} : memref<48x512xf32, #tpu.memory_space<vmem>>, vector<1x16xf32>,
      %get3A_170 = vector.shape_cast %get3A_169 : vector<1x16xf32> to vector<16xf32>
      %add3A_171 = arith.constant 5.000000e-01 : f32
      %add3A_172 = vector.broadcast %add3A_171 : f32 to vector<16xf32>
      %add3A_173 = arith.addf %get3A_170, %add3A_172 : vector<16xf32>
      %convert_element_type3A = arith.fptosi %add3A_173 : vector<16xf32> to vector<16xi32>
      %max3A = arith.constant 0 : i32
      %max3A_174 = vector.broadcast %max3A : i32 to vector<16xi32>
      %max3A_175 = arith.maxsi %convert_element_type3A, %max3A_174 : vector<16xi32>
      %min3A = arith.constant 63 : i32
      %min3A_176 = vector.broadcast %min3A : i32 to vector<16xi32>
      %min3A_177 = arith.minsi %max3A_175, %min3A_176 : vector<16xi32>
      %add3A_178 = arith.constant 16 : i32
      %add3A_179 = arith.addi %mul3A_32, %add3A_178 : i32
      %add3A_180 = arith.addi %add3A_179, %select_n3A_147 : i32
      %shift_right_arithmetic3A = arith.constant 3 : i32
      %shift_right_arithmetic3A_181 = arith.shrsi %add3A_180, %shift_right_arithmetic3A : i32
      %mul3A_182 = arith.constant 4 : i32
      %mul3A_183 = arith.muli %shift_right_arithmetic3A_181, %mul3A_182 : i32
      %shift_right_arithmetic3A_184 = arith.constant 7 : i32
      %shift_right_arithmetic3A_185 = arith.shrsi %mul3A_165, %shift_right_arithmetic3A_184 : i32
      %add3A_186 = arith.addi %mul3A_183, %shift_right_arithmetic3A_185 : i32
      %and3A_187 = arith.constant 7 : i32
      %and3A_188 = arith.andi %add3A_180, %and3A_187 : i32
      %shift_left3A = arith.constant 7 : i32
      %shift_left3A_189 = arith.shli %and3A_188, %shift_left3A : i32
      %and3A_190 = arith.constant 127 : i32
      %and3A_191 = arith.andi %mul3A_165, %and3A_190 : i32
      %add3A_192 = arith.addi %shift_left3A_189, %and3A_191 : i32
      %shift_left3A_193 = arith.constant 10 : i32
      %shift_left3A_194 = arith.shli %add3A_186, %shift_left3A_193 : i32
      %add3A_195 = arith.addi %mul3A_34, %shift_left3A_194 : i32
      %add3A_196 = arith.addi %add3A_195, %add3A_192 : i32
      %mul3A_197 = arith.constant 196608 : i32
      %mul3A_198 = vector.broadcast %mul3A_197 : i32 to vector<16xi32>
      %mul3A_199 = arith.muli %min3A_177, %mul3A_198 : vector<16xi32>
      %add3A_200 = vector.broadcast %add3A_196 : i32 to vector<16xi32>
      %add3A_201 = arith.addi %add3A_200, %iota3A : vector<16xi32>
      %add3A_202 = arith.addi %mul3A_199, %add3A_201 : vector<16xi32>
      %swap3A = arith.index_cast %select_n3A_147 : i32 to index
      %swap3A_203 = arith.index_cast %mul3A_165 : i32 to index
      %swap3A_204 = tpu.vector_load %arg8[%swap3A, %swap3A_203] {strides = array<i32>} : memref<8x512xi32, #tpu.memory_space<vmem>>, vector<1x16xi32>,
      %swap3A_205 = vector.shape_cast %swap3A_204 : vector<1x16xi32> to vector<16xi32>
      %swap3A_206 = vector.shape_cast %add3A_202 : vector<16xi32> to vector<1x16xi32>
      tpu.vector_store %arg8[%swap3A, %swap3A_203], %swap3A_206 {strides = array<i32>} : memref<8x512xi32, #tpu.memory_space<vmem>>, vector<1x16xi32>,
      %scan3A_207 = arith.constant 0 : i32
      scf.yield %scan3A_207 : i32
    }
    %scan3A_59 = arith.constant 256 : i32
    %cvconf_flat_gather_start3A_60 = tpu.reinterpret_cast %arg3 : memref<4x64x384x512xf32, #tpu.memory_space<hbm>> -> memref<50331648xf32, #tpu.tiled<(8),[1]>, #tpu.memory_space<hbm>>
    %cvconf_flat_gather_start3A_61 = tpu.reinterpret_cast %arg14 : memref<8x512xf32, #tpu.memory_space<vmem>> -> memref<4096xf32, #tpu.tiled<(128),[1]>, #tpu.memory_space<vmem>>
    %cvconf_flat_gather_start3A_62 = tpu.reinterpret_cast %arg8 : memref<8x512xi32, #tpu.memory_space<vmem>> -> memref<4096xi32, #tpu.tiled<(128),[1]>, #tpu.memory_space<vmem>>
    tpu.enqueue_indirect_dma source(%cvconf_flat_gather_start3A_60 : memref<50331648xf32, #tpu.tiled<(8),[1]>, #tpu.memory_space<hbm>>) target(%cvconf_flat_gather_start3A_61 : memref<4096xf32, #tpu.tiled<(128),[1]>, #tpu.memory_space<vmem>>) offsets(%cvconf_flat_gather_start3A_62 : memref<4096xi32, #tpu.tiled<(128),[1]>, #tpu.memory_space<vmem>>) semaphore(%arg18 : memref<!tpu.dma_semaphore, #tpu.memory_space<semaphore_mem>>)
    %scan3A_63 = arith.constant 0 : i32
    %scan3A_64 = arith.constant 0 : i32
    %scan3A_65 = arith.constant 256 : i32
    %scan3A_66 = arith.addi %scan3A_64, %scan3A_65 : i32
    %scan3A_67 = arith.constant 1 : i32
    %scan3A_68 = scf.for %scan3A_122 = %scan3A_64 to %scan3A_66 step %scan3A_67 iter_args(%scan3A_123 = %scan3A_63) -> (i32)  : i32 {
      %jit3A_124 = arith.constant 32 : i32
      %div3A_125 = arith.divsi %scan3A_122, %jit3A_124 : i32
      %sign3A_126 = arith.constant 0 : i32
      %sign3A_127 = arith.cmpi sgt, %scan3A_122, %sign3A_126 : i32
      %sign3A_128 = arith.extui %sign3A_127 : i1 to i32
      %sign3A_129 = arith.constant 0 : i32
      %sign3A_130 = arith.cmpi slt, %scan3A_122, %sign3A_129 : i32
      %sign3A_131 = arith.extui %sign3A_130 : i1 to i32
      %sign3A_132 = arith.subi %sign3A_128, %sign3A_131 : i32
      %sign3A_133 = arith.constant 0 : i32
      %sign3A_134 = arith.cmpi sgt, %jit3A_124, %sign3A_133 : i32
      %sign3A_135 = arith.extui %sign3A_134 : i1 to i32
      %sign3A_136 = arith.constant 0 : i32
      %sign3A_137 = arith.cmpi slt, %jit3A_124, %sign3A_136 : i32
      %sign3A_138 = arith.extui %sign3A_137 : i1 to i32
      %sign3A_139 = arith.subi %sign3A_135, %sign3A_138 : i32
      %ne3A_140 = arith.cmpi ne, %sign3A_132, %sign3A_139 : i32
      %rem3A_141 = arith.remsi %scan3A_122, %jit3A_124 : i32
      %ne3A_142 = arith.constant 0 : i32
      %ne3A_143 = arith.cmpi ne, %rem3A_141, %ne3A_142 : i32
      %and3A_144 = arith.andi %ne3A_140, %ne3A_143 : i1
      %sub3A_145 = arith.constant 1 : i32
      %sub3A_146 = arith.subi %div3A_125, %sub3A_145 : i32
      %select_n3A_147 = arith.select %and3A_144, %sub3A_146, %div3A_125 : i32
      %jit3A_148 = arith.constant 32 : i32
      %eq3A_149 = arith.constant 0 : i32
      %eq3A_150 = arith.cmpi eq, %jit3A_148, %eq3A_149 : i32
      %jit3A_151 = arith.constant 1 : i32
      %select_n3A_152 = arith.select %eq3A_150, %jit3A_151, %jit3A_148 : i32
      %rem3A_153 = arith.remsi %scan3A_122, %select_n3A_152 : i32
      %ne3A_154 = arith.constant 0 : i32
      %ne3A_155 = arith.cmpi ne, %rem3A_153, %ne3A_154 : i32
      %lt3A_156 = arith.constant 0 : i32
      %lt3A_157 = arith.cmpi slt, %rem3A_153, %lt3A_156 : i32
      %lt3A_158 = arith.constant 0 : i32
      %lt3A_159 = arith.cmpi slt, %select_n3A_152, %lt3A_158 : i32
      %ne3A_160 = arith.xori %lt3A_157, %lt3A_159 : i1
      %and3A_161 = arith.andi %ne3A_160, %ne3A_155 : i1
      %add3A_162 = arith.addi %rem3A_153, %select_n3A_152 : i32
      %select_n3A_163 = arith.select %and3A_161, %add3A_162, %rem3A_153 : i32
      %mul3A_164 = arith.constant 16 : i32
      %mul3A_165 = arith.muli %select_n3A_163, %mul3A_164 : i32
      %add3A_166 = arith.constant 24 : i32
      %add3A_167 = arith.addi %add3A_166, %select_n3A_147 : i32
      %get3A = arith.index_cast %add3A_167 : i32 to index
      %get3A_168 = arith.index_cast %mul3A_165 : i32 to index
      %get3A_169 = tpu.vector_load %arg5[%get3A, %get3A_168] {strides = array<i32>} : memref<48x512xf32, #tpu.memory_space<vmem>>, vector<1x16xf32>,
      %get3A_170 = vector.shape_cast %get3A_169 : vector<1x16xf32> to vector<16xf32>
      %add3A_171 = arith.constant 5.000000e-01 : f32
      %add3A_172 = vector.broadcast %add3A_171 : f32 to vector<16xf32>
      %add3A_173 = arith.addf %get3A_170, %add3A_172 : vector<16xf32>
      %convert_element_type3A = arith.fptosi %add3A_173 : vector<16xf32> to vector<16xi32>
      %max3A = arith.constant 0 : i32
      %max3A_174 = vector.broadcast %max3A : i32 to vector<16xi32>
      %max3A_175 = arith.maxsi %convert_element_type3A, %max3A_174 : vector<16xi32>
      %min3A = arith.constant 63 : i32
      %min3A_176 = vector.broadcast %min3A : i32 to vector<16xi32>
      %min3A_177 = arith.minsi %max3A_175, %min3A_176 : vector<16xi32>
      %add3A_178 = arith.constant 24 : i32
      %add3A_179 = arith.addi %mul3A_32, %add3A_178 : i32
      %add3A_180 = arith.addi %add3A_179, %select_n3A_147 : i32
      %shift_right_arithmetic3A = arith.constant 3 : i32
      %shift_right_arithmetic3A_181 = arith.shrsi %add3A_180, %shift_right_arithmetic3A : i32
      %mul3A_182 = arith.constant 4 : i32
      %mul3A_183 = arith.muli %shift_right_arithmetic3A_181, %mul3A_182 : i32
      %shift_right_arithmetic3A_184 = arith.constant 7 : i32
      %shift_right_arithmetic3A_185 = arith.shrsi %mul3A_165, %shift_right_arithmetic3A_184 : i32
      %add3A_186 = arith.addi %mul3A_183, %shift_right_arithmetic3A_185 : i32
      %and3A_187 = arith.constant 7 : i32
      %and3A_188 = arith.andi %add3A_180, %and3A_187 : i32
      %shift_left3A = arith.constant 7 : i32
      %shift_left3A_189 = arith.shli %and3A_188, %shift_left3A : i32
      %and3A_190 = arith.constant 127 : i32
      %and3A_191 = arith.andi %mul3A_165, %and3A_190 : i32
      %add3A_192 = arith.addi %shift_left3A_189, %and3A_191 : i32
      %shift_left3A_193 = arith.constant 10 : i32
      %shift_left3A_194 = arith.shli %add3A_186, %shift_left3A_193 : i32
      %add3A_195 = arith.addi %mul3A_34, %shift_left3A_194 : i32
      %add3A_196 = arith.addi %add3A_195, %add3A_192 : i32
      %mul3A_197 = arith.constant 196608 : i32
      %mul3A_198 = vector.broadcast %mul3A_197 : i32 to vector<16xi32>
      %mul3A_199 = arith.muli %min3A_177, %mul3A_198 : vector<16xi32>
      %add3A_200 = vector.broadcast %add3A_196 : i32 to vector<16xi32>
      %add3A_201 = arith.addi %add3A_200, %iota3A : vector<16xi32>
      %add3A_202 = arith.addi %mul3A_199, %add3A_201 : vector<16xi32>
      %swap3A = arith.index_cast %select_n3A_147 : i32 to index
      %swap3A_203 = arith.index_cast %mul3A_165 : i32 to index
      %swap3A_204 = tpu.vector_load %arg9[%swap3A, %swap3A_203] {strides = array<i32>} : memref<8x512xi32, #tpu.memory_space<vmem>>, vector<1x16xi32>,
      %swap3A_205 = vector.shape_cast %swap3A_204 : vector<1x16xi32> to vector<16xi32>
      %swap3A_206 = vector.shape_cast %add3A_202 : vector<16xi32> to vector<1x16xi32>
      tpu.vector_store %arg9[%swap3A, %swap3A_203], %swap3A_206 {strides = array<i32>} : memref<8x512xi32, #tpu.memory_space<vmem>>, vector<1x16xi32>,
      %scan3A_207 = arith.constant 0 : i32
      scf.yield %scan3A_207 : i32
    }
    %scan3A_69 = arith.constant 256 : i32
    %cvconf_flat_gather_start3A_70 = tpu.reinterpret_cast %arg3 : memref<4x64x384x512xf32, #tpu.memory_space<hbm>> -> memref<50331648xf32, #tpu.tiled<(8),[1]>, #tpu.memory_space<hbm>>
    %cvconf_flat_gather_start3A_71 = tpu.reinterpret_cast %arg15 : memref<8x512xf32, #tpu.memory_space<vmem>> -> memref<4096xf32, #tpu.tiled<(128),[1]>, #tpu.memory_space<vmem>>
    %cvconf_flat_gather_start3A_72 = tpu.reinterpret_cast %arg9 : memref<8x512xi32, #tpu.memory_space<vmem>> -> memref<4096xi32, #tpu.tiled<(128),[1]>, #tpu.memory_space<vmem>>
    tpu.enqueue_indirect_dma source(%cvconf_flat_gather_start3A_70 : memref<50331648xf32, #tpu.tiled<(8),[1]>, #tpu.memory_space<hbm>>) target(%cvconf_flat_gather_start3A_71 : memref<4096xf32, #tpu.tiled<(128),[1]>, #tpu.memory_space<vmem>>) offsets(%cvconf_flat_gather_start3A_72 : memref<4096xi32, #tpu.tiled<(128),[1]>, #tpu.memory_space<vmem>>) semaphore(%arg18 : memref<!tpu.dma_semaphore, #tpu.memory_space<semaphore_mem>>)
    %scan3A_73 = arith.constant 0 : i32
    %scan3A_74 = arith.constant 0 : i32
    %scan3A_75 = arith.constant 256 : i32
    %scan3A_76 = arith.addi %scan3A_74, %scan3A_75 : i32
    %scan3A_77 = arith.constant 1 : i32
    %scan3A_78 = scf.for %scan3A_122 = %scan3A_74 to %scan3A_76 step %scan3A_77 iter_args(%scan3A_123 = %scan3A_73) -> (i32)  : i32 {
      %jit3A_124 = arith.constant 32 : i32
      %div3A_125 = arith.divsi %scan3A_122, %jit3A_124 : i32
      %sign3A_126 = arith.constant 0 : i32
      %sign3A_127 = arith.cmpi sgt, %scan3A_122, %sign3A_126 : i32
      %sign3A_128 = arith.extui %sign3A_127 : i1 to i32
      %sign3A_129 = arith.constant 0 : i32
      %sign3A_130 = arith.cmpi slt, %scan3A_122, %sign3A_129 : i32
      %sign3A_131 = arith.extui %sign3A_130 : i1 to i32
      %sign3A_132 = arith.subi %sign3A_128, %sign3A_131 : i32
      %sign3A_133 = arith.constant 0 : i32
      %sign3A_134 = arith.cmpi sgt, %jit3A_124, %sign3A_133 : i32
      %sign3A_135 = arith.extui %sign3A_134 : i1 to i32
      %sign3A_136 = arith.constant 0 : i32
      %sign3A_137 = arith.cmpi slt, %jit3A_124, %sign3A_136 : i32
      %sign3A_138 = arith.extui %sign3A_137 : i1 to i32
      %sign3A_139 = arith.subi %sign3A_135, %sign3A_138 : i32
      %ne3A_140 = arith.cmpi ne, %sign3A_132, %sign3A_139 : i32
      %rem3A_141 = arith.remsi %scan3A_122, %jit3A_124 : i32
      %ne3A_142 = arith.constant 0 : i32
      %ne3A_143 = arith.cmpi ne, %rem3A_141, %ne3A_142 : i32
      %and3A_144 = arith.andi %ne3A_140, %ne3A_143 : i1
      %sub3A_145 = arith.constant 1 : i32
      %sub3A_146 = arith.subi %div3A_125, %sub3A_145 : i32
      %select_n3A_147 = arith.select %and3A_144, %sub3A_146, %div3A_125 : i32
      %jit3A_148 = arith.constant 32 : i32
      %eq3A_149 = arith.constant 0 : i32
      %eq3A_150 = arith.cmpi eq, %jit3A_148, %eq3A_149 : i32
      %jit3A_151 = arith.constant 1 : i32
      %select_n3A_152 = arith.select %eq3A_150, %jit3A_151, %jit3A_148 : i32
      %rem3A_153 = arith.remsi %scan3A_122, %select_n3A_152 : i32
      %ne3A_154 = arith.constant 0 : i32
      %ne3A_155 = arith.cmpi ne, %rem3A_153, %ne3A_154 : i32
      %lt3A_156 = arith.constant 0 : i32
      %lt3A_157 = arith.cmpi slt, %rem3A_153, %lt3A_156 : i32
      %lt3A_158 = arith.constant 0 : i32
      %lt3A_159 = arith.cmpi slt, %select_n3A_152, %lt3A_158 : i32
      %ne3A_160 = arith.xori %lt3A_157, %lt3A_159 : i1
      %and3A_161 = arith.andi %ne3A_160, %ne3A_155 : i1
      %add3A_162 = arith.addi %rem3A_153, %select_n3A_152 : i32
      %select_n3A_163 = arith.select %and3A_161, %add3A_162, %rem3A_153 : i32
      %mul3A_164 = arith.constant 16 : i32
      %mul3A_165 = arith.muli %select_n3A_163, %mul3A_164 : i32
      %add3A_166 = arith.constant 32 : i32
      %add3A_167 = arith.addi %add3A_166, %select_n3A_147 : i32
      %get3A = arith.index_cast %add3A_167 : i32 to index
      %get3A_168 = arith.index_cast %mul3A_165 : i32 to index
      %get3A_169 = tpu.vector_load %arg5[%get3A, %get3A_168] {strides = array<i32>} : memref<48x512xf32, #tpu.memory_space<vmem>>, vector<1x16xf32>,
      %get3A_170 = vector.shape_cast %get3A_169 : vector<1x16xf32> to vector<16xf32>
      %add3A_171 = arith.constant 5.000000e-01 : f32
      %add3A_172 = vector.broadcast %add3A_171 : f32 to vector<16xf32>
      %add3A_173 = arith.addf %get3A_170, %add3A_172 : vector<16xf32>
      %convert_element_type3A = arith.fptosi %add3A_173 : vector<16xf32> to vector<16xi32>
      %max3A = arith.constant 0 : i32
      %max3A_174 = vector.broadcast %max3A : i32 to vector<16xi32>
      %max3A_175 = arith.maxsi %convert_element_type3A, %max3A_174 : vector<16xi32>
      %min3A = arith.constant 63 : i32
      %min3A_176 = vector.broadcast %min3A : i32 to vector<16xi32>
      %min3A_177 = arith.minsi %max3A_175, %min3A_176 : vector<16xi32>
      %add3A_178 = arith.constant 32 : i32
      %add3A_179 = arith.addi %mul3A_32, %add3A_178 : i32
      %add3A_180 = arith.addi %add3A_179, %select_n3A_147 : i32
      %shift_right_arithmetic3A = arith.constant 3 : i32
      %shift_right_arithmetic3A_181 = arith.shrsi %add3A_180, %shift_right_arithmetic3A : i32
      %mul3A_182 = arith.constant 4 : i32
      %mul3A_183 = arith.muli %shift_right_arithmetic3A_181, %mul3A_182 : i32
      %shift_right_arithmetic3A_184 = arith.constant 7 : i32
      %shift_right_arithmetic3A_185 = arith.shrsi %mul3A_165, %shift_right_arithmetic3A_184 : i32
      %add3A_186 = arith.addi %mul3A_183, %shift_right_arithmetic3A_185 : i32
      %and3A_187 = arith.constant 7 : i32
      %and3A_188 = arith.andi %add3A_180, %and3A_187 : i32
      %shift_left3A = arith.constant 7 : i32
      %shift_left3A_189 = arith.shli %and3A_188, %shift_left3A : i32
      %and3A_190 = arith.constant 127 : i32
      %and3A_191 = arith.andi %mul3A_165, %and3A_190 : i32
      %add3A_192 = arith.addi %shift_left3A_189, %and3A_191 : i32
      %shift_left3A_193 = arith.constant 10 : i32
      %shift_left3A_194 = arith.shli %add3A_186, %shift_left3A_193 : i32
      %add3A_195 = arith.addi %mul3A_34, %shift_left3A_194 : i32
      %add3A_196 = arith.addi %add3A_195, %add3A_192 : i32
      %mul3A_197 = arith.constant 196608 : i32
      %mul3A_198 = vector.broadcast %mul3A_197 : i32 to vector<16xi32>
      %mul3A_199 = arith.muli %min3A_177, %mul3A_198 : vector<16xi32>
      %add3A_200 = vector.broadcast %add3A_196 : i32 to vector<16xi32>
      %add3A_201 = arith.addi %add3A_200, %iota3A : vector<16xi32>
      %add3A_202 = arith.addi %mul3A_199, %add3A_201 : vector<16xi32>
      %swap3A = arith.index_cast %select_n3A_147 : i32 to index
      %swap3A_203 = arith.index_cast %mul3A_165 : i32 to index
      %swap3A_204 = tpu.vector_load %arg10[%swap3A, %swap3A_203] {strides = array<i32>} : memref<8x512xi32, #tpu.memory_space<vmem>>, vector<1x16xi32>,
      %swap3A_205 = vector.shape_cast %swap3A_204 : vector<1x16xi32> to vector<16xi32>
      %swap3A_206 = vector.shape_cast %add3A_202 : vector<16xi32> to vector<1x16xi32>
      tpu.vector_store %arg10[%swap3A, %swap3A_203], %swap3A_206 {strides = array<i32>} : memref<8x512xi32, #tpu.memory_space<vmem>>, vector<1x16xi32>,
      %scan3A_207 = arith.constant 0 : i32
      scf.yield %scan3A_207 : i32
    }
    %scan3A_79 = arith.constant 256 : i32
    %cvconf_flat_gather_start3A_80 = tpu.reinterpret_cast %arg3 : memref<4x64x384x512xf32, #tpu.memory_space<hbm>> -> memref<50331648xf32, #tpu.tiled<(8),[1]>, #tpu.memory_space<hbm>>
    %cvconf_flat_gather_start3A_81 = tpu.reinterpret_cast %arg16 : memref<8x512xf32, #tpu.memory_space<vmem>> -> memref<4096xf32, #tpu.tiled<(128),[1]>, #tpu.memory_space<vmem>>
    %cvconf_flat_gather_start3A_82 = tpu.reinterpret_cast %arg10 : memref<8x512xi32, #tpu.memory_space<vmem>> -> memref<4096xi32, #tpu.tiled<(128),[1]>, #tpu.memory_space<vmem>>
    tpu.enqueue_indirect_dma source(%cvconf_flat_gather_start3A_80 : memref<50331648xf32, #tpu.tiled<(8),[1]>, #tpu.memory_space<hbm>>) target(%cvconf_flat_gather_start3A_81 : memref<4096xf32, #tpu.tiled<(128),[1]>, #tpu.memory_space<vmem>>) offsets(%cvconf_flat_gather_start3A_82 : memref<4096xi32, #tpu.tiled<(128),[1]>, #tpu.memory_space<vmem>>) semaphore(%arg18 : memref<!tpu.dma_semaphore, #tpu.memory_space<semaphore_mem>>)
    %scan3A_83 = arith.constant 0 : i32
    %scan3A_84 = arith.constant 0 : i32
    %scan3A_85 = arith.constant 256 : i32
    %scan3A_86 = arith.addi %scan3A_84, %scan3A_85 : i32
    %scan3A_87 = arith.constant 1 : i32
    %scan3A_88 = scf.for %scan3A_122 = %scan3A_84 to %scan3A_86 step %scan3A_87 iter_args(%scan3A_123 = %scan3A_83) -> (i32)  : i32 {
      %jit3A_124 = arith.constant 32 : i32
      %div3A_125 = arith.divsi %scan3A_122, %jit3A_124 : i32
      %sign3A_126 = arith.constant 0 : i32
      %sign3A_127 = arith.cmpi sgt, %scan3A_122, %sign3A_126 : i32
      %sign3A_128 = arith.extui %sign3A_127 : i1 to i32
      %sign3A_129 = arith.constant 0 : i32
      %sign3A_130 = arith.cmpi slt, %scan3A_122, %sign3A_129 : i32
      %sign3A_131 = arith.extui %sign3A_130 : i1 to i32
      %sign3A_132 = arith.subi %sign3A_128, %sign3A_131 : i32
      %sign3A_133 = arith.constant 0 : i32
      %sign3A_134 = arith.cmpi sgt, %jit3A_124, %sign3A_133 : i32
      %sign3A_135 = arith.extui %sign3A_134 : i1 to i32
      %sign3A_136 = arith.constant 0 : i32
      %sign3A_137 = arith.cmpi slt, %jit3A_124, %sign3A_136 : i32
      %sign3A_138 = arith.extui %sign3A_137 : i1 to i32
      %sign3A_139 = arith.subi %sign3A_135, %sign3A_138 : i32
      %ne3A_140 = arith.cmpi ne, %sign3A_132, %sign3A_139 : i32
      %rem3A_141 = arith.remsi %scan3A_122, %jit3A_124 : i32
      %ne3A_142 = arith.constant 0 : i32
      %ne3A_143 = arith.cmpi ne, %rem3A_141, %ne3A_142 : i32
      %and3A_144 = arith.andi %ne3A_140, %ne3A_143 : i1
      %sub3A_145 = arith.constant 1 : i32
      %sub3A_146 = arith.subi %div3A_125, %sub3A_145 : i32
      %select_n3A_147 = arith.select %and3A_144, %sub3A_146, %div3A_125 : i32
      %jit3A_148 = arith.constant 32 : i32
      %eq3A_149 = arith.constant 0 : i32
      %eq3A_150 = arith.cmpi eq, %jit3A_148, %eq3A_149 : i32
      %jit3A_151 = arith.constant 1 : i32
      %select_n3A_152 = arith.select %eq3A_150, %jit3A_151, %jit3A_148 : i32
      %rem3A_153 = arith.remsi %scan3A_122, %select_n3A_152 : i32
      %ne3A_154 = arith.constant 0 : i32
      %ne3A_155 = arith.cmpi ne, %rem3A_153, %ne3A_154 : i32
      %lt3A_156 = arith.constant 0 : i32
      %lt3A_157 = arith.cmpi slt, %rem3A_153, %lt3A_156 : i32
      %lt3A_158 = arith.constant 0 : i32
      %lt3A_159 = arith.cmpi slt, %select_n3A_152, %lt3A_158 : i32
      %ne3A_160 = arith.xori %lt3A_157, %lt3A_159 : i1
      %and3A_161 = arith.andi %ne3A_160, %ne3A_155 : i1
      %add3A_162 = arith.addi %rem3A_153, %select_n3A_152 : i32
      %select_n3A_163 = arith.select %and3A_161, %add3A_162, %rem3A_153 : i32
      %mul3A_164 = arith.constant 16 : i32
      %mul3A_165 = arith.muli %select_n3A_163, %mul3A_164 : i32
      %add3A_166 = arith.constant 40 : i32
      %add3A_167 = arith.addi %add3A_166, %select_n3A_147 : i32
      %get3A = arith.index_cast %add3A_167 : i32 to index
      %get3A_168 = arith.index_cast %mul3A_165 : i32 to index
      %get3A_169 = tpu.vector_load %arg5[%get3A, %get3A_168] {strides = array<i32>} : memref<48x512xf32, #tpu.memory_space<vmem>>, vector<1x16xf32>,
      %get3A_170 = vector.shape_cast %get3A_169 : vector<1x16xf32> to vector<16xf32>
      %add3A_171 = arith.constant 5.000000e-01 : f32
      %add3A_172 = vector.broadcast %add3A_171 : f32 to vector<16xf32>
      %add3A_173 = arith.addf %get3A_170, %add3A_172 : vector<16xf32>
      %convert_element_type3A = arith.fptosi %add3A_173 : vector<16xf32> to vector<16xi32>
      %max3A = arith.constant 0 : i32
      %max3A_174 = vector.broadcast %max3A : i32 to vector<16xi32>
      %max3A_175 = arith.maxsi %convert_element_type3A, %max3A_174 : vector<16xi32>
      %min3A = arith.constant 63 : i32
      %min3A_176 = vector.broadcast %min3A : i32 to vector<16xi32>
      %min3A_177 = arith.minsi %max3A_175, %min3A_176 : vector<16xi32>
      %add3A_178 = arith.constant 40 : i32
      %add3A_179 = arith.addi %mul3A_32, %add3A_178 : i32
      %add3A_180 = arith.addi %add3A_179, %select_n3A_147 : i32
      %shift_right_arithmetic3A = arith.constant 3 : i32
      %shift_right_arithmetic3A_181 = arith.shrsi %add3A_180, %shift_right_arithmetic3A : i32
      %mul3A_182 = arith.constant 4 : i32
      %mul3A_183 = arith.muli %shift_right_arithmetic3A_181, %mul3A_182 : i32
      %shift_right_arithmetic3A_184 = arith.constant 7 : i32
      %shift_right_arithmetic3A_185 = arith.shrsi %mul3A_165, %shift_right_arithmetic3A_184 : i32
      %add3A_186 = arith.addi %mul3A_183, %shift_right_arithmetic3A_185 : i32
      %and3A_187 = arith.constant 7 : i32
      %and3A_188 = arith.andi %add3A_180, %and3A_187 : i32
      %shift_left3A = arith.constant 7 : i32
      %shift_left3A_189 = arith.shli %and3A_188, %shift_left3A : i32
      %and3A_190 = arith.constant 127 : i32
      %and3A_191 = arith.andi %mul3A_165, %and3A_190 : i32
      %add3A_192 = arith.addi %shift_left3A_189, %and3A_191 : i32
      %shift_left3A_193 = arith.constant 10 : i32
      %shift_left3A_194 = arith.shli %add3A_186, %shift_left3A_193 : i32
      %add3A_195 = arith.addi %mul3A_34, %shift_left3A_194 : i32
      %add3A_196 = arith.addi %add3A_195, %add3A_192 : i32
      %mul3A_197 = arith.constant 196608 : i32
      %mul3A_198 = vector.broadcast %mul3A_197 : i32 to vector<16xi32>
      %mul3A_199 = arith.muli %min3A_177, %mul3A_198 : vector<16xi32>
      %add3A_200 = vector.broadcast %add3A_196 : i32 to vector<16xi32>
      %add3A_201 = arith.addi %add3A_200, %iota3A : vector<16xi32>
      %add3A_202 = arith.addi %mul3A_199, %add3A_201 : vector<16xi32>
      %swap3A = arith.index_cast %select_n3A_147 : i32 to index
      %swap3A_203 = arith.index_cast %mul3A_165 : i32 to index
      %swap3A_204 = tpu.vector_load %arg11[%swap3A, %swap3A_203] {strides = array<i32>} : memref<8x512xi32, #tpu.memory_space<vmem>>, vector<1x16xi32>,
      %swap3A_205 = vector.shape_cast %swap3A_204 : vector<1x16xi32> to vector<16xi32>
      %swap3A_206 = vector.shape_cast %add3A_202 : vector<16xi32> to vector<1x16xi32>
      tpu.vector_store %arg11[%swap3A, %swap3A_203], %swap3A_206 {strides = array<i32>} : memref<8x512xi32, #tpu.memory_space<vmem>>, vector<1x16xi32>,
      %scan3A_207 = arith.constant 0 : i32
      scf.yield %scan3A_207 : i32
    }
    %scan3A_89 = arith.constant 256 : i32
    %cvconf_flat_gather_start3A_90 = tpu.reinterpret_cast %arg3 : memref<4x64x384x512xf32, #tpu.memory_space<hbm>> -> memref<50331648xf32, #tpu.tiled<(8),[1]>, #tpu.memory_space<hbm>>
    %cvconf_flat_gather_start3A_91 = tpu.reinterpret_cast %arg17 : memref<8x512xf32, #tpu.memory_space<vmem>> -> memref<4096xf32, #tpu.tiled<(128),[1]>, #tpu.memory_space<vmem>>
    %cvconf_flat_gather_start3A_92 = tpu.reinterpret_cast %arg11 : memref<8x512xi32, #tpu.memory_space<vmem>> -> memref<4096xi32, #tpu.tiled<(128),[1]>, #tpu.memory_space<vmem>>
    tpu.enqueue_indirect_dma source(%cvconf_flat_gather_start3A_90 : memref<50331648xf32, #tpu.tiled<(8),[1]>, #tpu.memory_space<hbm>>) target(%cvconf_flat_gather_start3A_91 : memref<4096xf32, #tpu.tiled<(128),[1]>, #tpu.memory_space<vmem>>) offsets(%cvconf_flat_gather_start3A_92 : memref<4096xi32, #tpu.tiled<(128),[1]>, #tpu.memory_space<vmem>>) semaphore(%arg18 : memref<!tpu.dma_semaphore, #tpu.memory_space<semaphore_mem>>)
    %cvconf_flat_gather_wait3A = tpu.reinterpret_cast %arg3 : memref<4x64x384x512xf32, #tpu.memory_space<hbm>> -> memref<50331648xf32, #tpu.tiled<(8),[1]>, #tpu.memory_space<hbm>>
    %cvconf_flat_gather_wait3A_93 = tpu.reinterpret_cast %arg12 : memref<8x512xf32, #tpu.memory_space<vmem>> -> memref<4096xf32, #tpu.tiled<(128),[1]>, #tpu.memory_space<vmem>>
    tpu.wait_indirect_dma semaphore(%arg18 : memref<!tpu.dma_semaphore, #tpu.memory_space<semaphore_mem>>) src(%cvconf_flat_gather_wait3A : memref<50331648xf32, #tpu.tiled<(8),[1]>, #tpu.memory_space<hbm>>) dst(%cvconf_flat_gather_wait3A_93 : memref<4096xf32, #tpu.tiled<(128),[1]>, #tpu.memory_space<vmem>>)
    %add3A_94 = arith.constant 0 : i32
    %add3A_95 = arith.addi %mul3A_32, %add3A_94 : i32
    %run_scoped3A_96 = arith.constant 0 : i32
    "tpu.region"() ({
      %run_scoped3A_122 = tpu.sem_alloc : memref<!tpu.dma_semaphore, #tpu.memory_space<semaphore_mem>>
      %dma_start3A = arith.constant 0 : i32
      %dma_start3A_123 = tpu.memref_slice %arg4[%select_n3A, %run_scoped3A_96, %add3A_95, %dma_start3A] : memref<4x1x384x512xf32, #tpu.memory_space<hbm>> -> memref<1x1x8x512xf32, #tpu.memory_space<hbm>>
      %dma_start3A_124 = tpu.memref_squeeze %dma_start3A_123 : memref<1x1x8x512xf32, #tpu.memory_space<hbm>> -> memref<8x512xf32, #tpu.memory_space<hbm>>
      %dma_start3A_125 = arith.constant 0 : i32
      %dma_start3A_126 = tpu.memref_slice %arg4[%select_n3A, %run_scoped3A_96, %add3A_95, %dma_start3A_125] : memref<4x1x384x512xf32, #tpu.memory_space<hbm>> -> memref<1x1x8x512xf32, #tpu.memory_space<hbm>>
      %dma_start3A_127 = tpu.memref_squeeze %dma_start3A_126 : memref<1x1x8x512xf32, #tpu.memory_space<hbm>> -> memref<8x512xf32, #tpu.memory_space<hbm>>
      tpu.enqueue_dma source(%arg12 : memref<8x512xf32, #tpu.memory_space<vmem>>) target(%dma_start3A_127 : memref<8x512xf32, #tpu.memory_space<hbm>>) target_semaphore(%run_scoped3A_122 : memref<!tpu.dma_semaphore, #tpu.memory_space<semaphore_mem>>)
      %dma_wait3A = arith.constant 0 : i32
      %dma_wait3A_128 = tpu.memref_slice %arg4[%select_n3A, %run_scoped3A_96, %add3A_95, %dma_wait3A] : memref<4x1x384x512xf32, #tpu.memory_space<hbm>> -> memref<1x1x8x512xf32, #tpu.memory_space<hbm>>
      %dma_wait3A_129 = tpu.memref_squeeze %dma_wait3A_128 : memref<1x1x8x512xf32, #tpu.memory_space<hbm>> -> memref<8x512xf32, #tpu.memory_space<hbm>>
      %dma_wait3A_130 = arith.constant 0 : i32
      %dma_wait3A_131 = tpu.memref_slice %arg4[%select_n3A, %run_scoped3A_96, %add3A_95, %dma_wait3A_130] : memref<4x1x384x512xf32, #tpu.memory_space<hbm>> -> memref<1x1x8x512xf32, #tpu.memory_space<hbm>>
      %dma_wait3A_132 = tpu.memref_squeeze %dma_wait3A_131 : memref<1x1x8x512xf32, #tpu.memory_space<hbm>> -> memref<8x512xf32, #tpu.memory_space<hbm>>
      tpu.wait_dma2 semaphore(%run_scoped3A_122 : memref<!tpu.dma_semaphore, #tpu.memory_space<semaphore_mem>>) src(%arg12 : memref<8x512xf32, #tpu.memory_space<vmem>>) dst(%dma_wait3A_132 : memref<8x512xf32, #tpu.memory_space<hbm>>)
      tpu.yield
    }) : () -> ()
    %cvconf_flat_gather_wait3A_97 = tpu.reinterpret_cast %arg3 : memref<4x64x384x512xf32, #tpu.memory_space<hbm>> -> memref<50331648xf32, #tpu.tiled<(8),[1]>, #tpu.memory_space<hbm>>
    %cvconf_flat_gather_wait3A_98 = tpu.reinterpret_cast %arg13 : memref<8x512xf32, #tpu.memory_space<vmem>> -> memref<4096xf32, #tpu.tiled<(128),[1]>, #tpu.memory_space<vmem>>
    tpu.wait_indirect_dma semaphore(%arg18 : memref<!tpu.dma_semaphore, #tpu.memory_space<semaphore_mem>>) src(%cvconf_flat_gather_wait3A_97 : memref<50331648xf32, #tpu.tiled<(8),[1]>, #tpu.memory_space<hbm>>) dst(%cvconf_flat_gather_wait3A_98 : memref<4096xf32, #tpu.tiled<(128),[1]>, #tpu.memory_space<vmem>>)
    %add3A_99 = arith.constant 8 : i32
    %add3A_100 = arith.addi %mul3A_32, %add3A_99 : i32
    %run_scoped3A_101 = arith.constant 0 : i32
    "tpu.region"() ({
      %run_scoped3A_122 = tpu.sem_alloc : memref<!tpu.dma_semaphore, #tpu.memory_space<semaphore_mem>>
      %dma_start3A = arith.constant 0 : i32
      %dma_start3A_123 = tpu.memref_slice %arg4[%select_n3A, %run_scoped3A_101, %add3A_100, %dma_start3A] : memref<4x1x384x512xf32, #tpu.memory_space<hbm>> -> memref<1x1x8x512xf32, #tpu.memory_space<hbm>>
      %dma_start3A_124 = tpu.memref_squeeze %dma_start3A_123 : memref<1x1x8x512xf32, #tpu.memory_space<hbm>> -> memref<8x512xf32, #tpu.memory_space<hbm>>
      %dma_start3A_125 = arith.constant 0 : i32
      %dma_start3A_126 = tpu.memref_slice %arg4[%select_n3A, %run_scoped3A_101, %add3A_100, %dma_start3A_125] : memref<4x1x384x512xf32, #tpu.memory_space<hbm>> -> memref<1x1x8x512xf32, #tpu.memory_space<hbm>>
      %dma_start3A_127 = tpu.memref_squeeze %dma_start3A_126 : memref<1x1x8x512xf32, #tpu.memory_space<hbm>> -> memref<8x512xf32, #tpu.memory_space<hbm>>
      tpu.enqueue_dma source(%arg13 : memref<8x512xf32, #tpu.memory_space<vmem>>) target(%dma_start3A_127 : memref<8x512xf32, #tpu.memory_space<hbm>>) target_semaphore(%run_scoped3A_122 : memref<!tpu.dma_semaphore, #tpu.memory_space<semaphore_mem>>)
      %dma_wait3A = arith.constant 0 : i32
      %dma_wait3A_128 = tpu.memref_slice %arg4[%select_n3A, %run_scoped3A_101, %add3A_100, %dma_wait3A] : memref<4x1x384x512xf32, #tpu.memory_space<hbm>> -> memref<1x1x8x512xf32, #tpu.memory_space<hbm>>
      %dma_wait3A_129 = tpu.memref_squeeze %dma_wait3A_128 : memref<1x1x8x512xf32, #tpu.memory_space<hbm>> -> memref<8x512xf32, #tpu.memory_space<hbm>>
      %dma_wait3A_130 = arith.constant 0 : i32
      %dma_wait3A_131 = tpu.memref_slice %arg4[%select_n3A, %run_scoped3A_101, %add3A_100, %dma_wait3A_130] : memref<4x1x384x512xf32, #tpu.memory_space<hbm>> -> memref<1x1x8x512xf32, #tpu.memory_space<hbm>>
      %dma_wait3A_132 = tpu.memref_squeeze %dma_wait3A_131 : memref<1x1x8x512xf32, #tpu.memory_space<hbm>> -> memref<8x512xf32, #tpu.memory_space<hbm>>
      tpu.wait_dma2 semaphore(%run_scoped3A_122 : memref<!tpu.dma_semaphore, #tpu.memory_space<semaphore_mem>>) src(%arg13 : memref<8x512xf32, #tpu.memory_space<vmem>>) dst(%dma_wait3A_132 : memref<8x512xf32, #tpu.memory_space<hbm>>)
      tpu.yield
    }) : () -> ()
    %cvconf_flat_gather_wait3A_102 = tpu.reinterpret_cast %arg3 : memref<4x64x384x512xf32, #tpu.memory_space<hbm>> -> memref<50331648xf32, #tpu.tiled<(8),[1]>, #tpu.memory_space<hbm>>
    %cvconf_flat_gather_wait3A_103 = tpu.reinterpret_cast %arg14 : memref<8x512xf32, #tpu.memory_space<vmem>> -> memref<4096xf32, #tpu.tiled<(128),[1]>, #tpu.memory_space<vmem>>
    tpu.wait_indirect_dma semaphore(%arg18 : memref<!tpu.dma_semaphore, #tpu.memory_space<semaphore_mem>>) src(%cvconf_flat_gather_wait3A_102 : memref<50331648xf32, #tpu.tiled<(8),[1]>, #tpu.memory_space<hbm>>) dst(%cvconf_flat_gather_wait3A_103 : memref<4096xf32, #tpu.tiled<(128),[1]>, #tpu.memory_space<vmem>>)
    %add3A_104 = arith.constant 16 : i32
    %add3A_105 = arith.addi %mul3A_32, %add3A_104 : i32
    %run_scoped3A_106 = arith.constant 0 : i32
    "tpu.region"() ({
      %run_scoped3A_122 = tpu.sem_alloc : memref<!tpu.dma_semaphore, #tpu.memory_space<semaphore_mem>>
      %dma_start3A = arith.constant 0 : i32
      %dma_start3A_123 = tpu.memref_slice %arg4[%select_n3A, %run_scoped3A_106, %add3A_105, %dma_start3A] : memref<4x1x384x512xf32, #tpu.memory_space<hbm>> -> memref<1x1x8x512xf32, #tpu.memory_space<hbm>>
      %dma_start3A_124 = tpu.memref_squeeze %dma_start3A_123 : memref<1x1x8x512xf32, #tpu.memory_space<hbm>> -> memref<8x512xf32, #tpu.memory_space<hbm>>
      %dma_start3A_125 = arith.constant 0 : i32
      %dma_start3A_126 = tpu.memref_slice %arg4[%select_n3A, %run_scoped3A_106, %add3A_105, %dma_start3A_125] : memref<4x1x384x512xf32, #tpu.memory_space<hbm>> -> memref<1x1x8x512xf32, #tpu.memory_space<hbm>>
      %dma_start3A_127 = tpu.memref_squeeze %dma_start3A_126 : memref<1x1x8x512xf32, #tpu.memory_space<hbm>> -> memref<8x512xf32, #tpu.memory_space<hbm>>
      tpu.enqueue_dma source(%arg14 : memref<8x512xf32, #tpu.memory_space<vmem>>) target(%dma_start3A_127 : memref<8x512xf32, #tpu.memory_space<hbm>>) target_semaphore(%run_scoped3A_122 : memref<!tpu.dma_semaphore, #tpu.memory_space<semaphore_mem>>)
      %dma_wait3A = arith.constant 0 : i32
      %dma_wait3A_128 = tpu.memref_slice %arg4[%select_n3A, %run_scoped3A_106, %add3A_105, %dma_wait3A] : memref<4x1x384x512xf32, #tpu.memory_space<hbm>> -> memref<1x1x8x512xf32, #tpu.memory_space<hbm>>
      %dma_wait3A_129 = tpu.memref_squeeze %dma_wait3A_128 : memref<1x1x8x512xf32, #tpu.memory_space<hbm>> -> memref<8x512xf32, #tpu.memory_space<hbm>>
      %dma_wait3A_130 = arith.constant 0 : i32
      %dma_wait3A_131 = tpu.memref_slice %arg4[%select_n3A, %run_scoped3A_106, %add3A_105, %dma_wait3A_130] : memref<4x1x384x512xf32, #tpu.memory_space<hbm>> -> memref<1x1x8x512xf32, #tpu.memory_space<hbm>>
      %dma_wait3A_132 = tpu.memref_squeeze %dma_wait3A_131 : memref<1x1x8x512xf32, #tpu.memory_space<hbm>> -> memref<8x512xf32, #tpu.memory_space<hbm>>
      tpu.wait_dma2 semaphore(%run_scoped3A_122 : memref<!tpu.dma_semaphore, #tpu.memory_space<semaphore_mem>>) src(%arg14 : memref<8x512xf32, #tpu.memory_space<vmem>>) dst(%dma_wait3A_132 : memref<8x512xf32, #tpu.memory_space<hbm>>)
      tpu.yield
    }) : () -> ()
    %cvconf_flat_gather_wait3A_107 = tpu.reinterpret_cast %arg3 : memref<4x64x384x512xf32, #tpu.memory_space<hbm>> -> memref<50331648xf32, #tpu.tiled<(8),[1]>, #tpu.memory_space<hbm>>
    %cvconf_flat_gather_wait3A_108 = tpu.reinterpret_cast %arg15 : memref<8x512xf32, #tpu.memory_space<vmem>> -> memref<4096xf32, #tpu.tiled<(128),[1]>, #tpu.memory_space<vmem>>
    tpu.wait_indirect_dma semaphore(%arg18 : memref<!tpu.dma_semaphore, #tpu.memory_space<semaphore_mem>>) src(%cvconf_flat_gather_wait3A_107 : memref<50331648xf32, #tpu.tiled<(8),[1]>, #tpu.memory_space<hbm>>) dst(%cvconf_flat_gather_wait3A_108 : memref<4096xf32, #tpu.tiled<(128),[1]>, #tpu.memory_space<vmem>>)
    %add3A_109 = arith.constant 24 : i32
    %add3A_110 = arith.addi %mul3A_32, %add3A_109 : i32
    %run_scoped3A_111 = arith.constant 0 : i32
    "tpu.region"() ({
      %run_scoped3A_122 = tpu.sem_alloc : memref<!tpu.dma_semaphore, #tpu.memory_space<semaphore_mem>>
      %dma_start3A = arith.constant 0 : i32
      %dma_start3A_123 = tpu.memref_slice %arg4[%select_n3A, %run_scoped3A_111, %add3A_110, %dma_start3A] : memref<4x1x384x512xf32, #tpu.memory_space<hbm>> -> memref<1x1x8x512xf32, #tpu.memory_space<hbm>>
      %dma_start3A_124 = tpu.memref_squeeze %dma_start3A_123 : memref<1x1x8x512xf32, #tpu.memory_space<hbm>> -> memref<8x512xf32, #tpu.memory_space<hbm>>
      %dma_start3A_125 = arith.constant 0 : i32
      %dma_start3A_126 = tpu.memref_slice %arg4[%select_n3A, %run_scoped3A_111, %add3A_110, %dma_start3A_125] : memref<4x1x384x512xf32, #tpu.memory_space<hbm>> -> memref<1x1x8x512xf32, #tpu.memory_space<hbm>>
      %dma_start3A_127 = tpu.memref_squeeze %dma_start3A_126 : memref<1x1x8x512xf32, #tpu.memory_space<hbm>> -> memref<8x512xf32, #tpu.memory_space<hbm>>
      tpu.enqueue_dma source(%arg15 : memref<8x512xf32, #tpu.memory_space<vmem>>) target(%dma_start3A_127 : memref<8x512xf32, #tpu.memory_space<hbm>>) target_semaphore(%run_scoped3A_122 : memref<!tpu.dma_semaphore, #tpu.memory_space<semaphore_mem>>)
      %dma_wait3A = arith.constant 0 : i32
      %dma_wait3A_128 = tpu.memref_slice %arg4[%select_n3A, %run_scoped3A_111, %add3A_110, %dma_wait3A] : memref<4x1x384x512xf32, #tpu.memory_space<hbm>> -> memref<1x1x8x512xf32, #tpu.memory_space<hbm>>
      %dma_wait3A_129 = tpu.memref_squeeze %dma_wait3A_128 : memref<1x1x8x512xf32, #tpu.memory_space<hbm>> -> memref<8x512xf32, #tpu.memory_space<hbm>>
      %dma_wait3A_130 = arith.constant 0 : i32
      %dma_wait3A_131 = tpu.memref_slice %arg4[%select_n3A, %run_scoped3A_111, %add3A_110, %dma_wait3A_130] : memref<4x1x384x512xf32, #tpu.memory_space<hbm>> -> memref<1x1x8x512xf32, #tpu.memory_space<hbm>>
      %dma_wait3A_132 = tpu.memref_squeeze %dma_wait3A_131 : memref<1x1x8x512xf32, #tpu.memory_space<hbm>> -> memref<8x512xf32, #tpu.memory_space<hbm>>
      tpu.wait_dma2 semaphore(%run_scoped3A_122 : memref<!tpu.dma_semaphore, #tpu.memory_space<semaphore_mem>>) src(%arg15 : memref<8x512xf32, #tpu.memory_space<vmem>>) dst(%dma_wait3A_132 : memref<8x512xf32, #tpu.memory_space<hbm>>)
      tpu.yield
    }) : () -> ()
    %cvconf_flat_gather_wait3A_112 = tpu.reinterpret_cast %arg3 : memref<4x64x384x512xf32, #tpu.memory_space<hbm>> -> memref<50331648xf32, #tpu.tiled<(8),[1]>, #tpu.memory_space<hbm>>
    %cvconf_flat_gather_wait3A_113 = tpu.reinterpret_cast %arg16 : memref<8x512xf32, #tpu.memory_space<vmem>> -> memref<4096xf32, #tpu.tiled<(128),[1]>, #tpu.memory_space<vmem>>
    tpu.wait_indirect_dma semaphore(%arg18 : memref<!tpu.dma_semaphore, #tpu.memory_space<semaphore_mem>>) src(%cvconf_flat_gather_wait3A_112 : memref<50331648xf32, #tpu.tiled<(8),[1]>, #tpu.memory_space<hbm>>) dst(%cvconf_flat_gather_wait3A_113 : memref<4096xf32, #tpu.tiled<(128),[1]>, #tpu.memory_space<vmem>>)
    %add3A_114 = arith.constant 32 : i32
    %add3A_115 = arith.addi %mul3A_32, %add3A_114 : i32
    %run_scoped3A_116 = arith.constant 0 : i32
    "tpu.region"() ({
      %run_scoped3A_122 = tpu.sem_alloc : memref<!tpu.dma_semaphore, #tpu.memory_space<semaphore_mem>>
      %dma_start3A = arith.constant 0 : i32
      %dma_start3A_123 = tpu.memref_slice %arg4[%select_n3A, %run_scoped3A_116, %add3A_115, %dma_start3A] : memref<4x1x384x512xf32, #tpu.memory_space<hbm>> -> memref<1x1x8x512xf32, #tpu.memory_space<hbm>>
      %dma_start3A_124 = tpu.memref_squeeze %dma_start3A_123 : memref<1x1x8x512xf32, #tpu.memory_space<hbm>> -> memref<8x512xf32, #tpu.memory_space<hbm>>
      %dma_start3A_125 = arith.constant 0 : i32
      %dma_start3A_126 = tpu.memref_slice %arg4[%select_n3A, %run_scoped3A_116, %add3A_115, %dma_start3A_125] : memref<4x1x384x512xf32, #tpu.memory_space<hbm>> -> memref<1x1x8x512xf32, #tpu.memory_space<hbm>>
      %dma_start3A_127 = tpu.memref_squeeze %dma_start3A_126 : memref<1x1x8x512xf32, #tpu.memory_space<hbm>> -> memref<8x512xf32, #tpu.memory_space<hbm>>
      tpu.enqueue_dma source(%arg16 : memref<8x512xf32, #tpu.memory_space<vmem>>) target(%dma_start3A_127 : memref<8x512xf32, #tpu.memory_space<hbm>>) target_semaphore(%run_scoped3A_122 : memref<!tpu.dma_semaphore, #tpu.memory_space<semaphore_mem>>)
      %dma_wait3A = arith.constant 0 : i32
      %dma_wait3A_128 = tpu.memref_slice %arg4[%select_n3A, %run_scoped3A_116, %add3A_115, %dma_wait3A] : memref<4x1x384x512xf32, #tpu.memory_space<hbm>> -> memref<1x1x8x512xf32, #tpu.memory_space<hbm>>
      %dma_wait3A_129 = tpu.memref_squeeze %dma_wait3A_128 : memref<1x1x8x512xf32, #tpu.memory_space<hbm>> -> memref<8x512xf32, #tpu.memory_space<hbm>>
      %dma_wait3A_130 = arith.constant 0 : i32
      %dma_wait3A_131 = tpu.memref_slice %arg4[%select_n3A, %run_scoped3A_116, %add3A_115, %dma_wait3A_130] : memref<4x1x384x512xf32, #tpu.memory_space<hbm>> -> memref<1x1x8x512xf32, #tpu.memory_space<hbm>>
      %dma_wait3A_132 = tpu.memref_squeeze %dma_wait3A_131 : memref<1x1x8x512xf32, #tpu.memory_space<hbm>> -> memref<8x512xf32, #tpu.memory_space<hbm>>
      tpu.wait_dma2 semaphore(%run_scoped3A_122 : memref<!tpu.dma_semaphore, #tpu.memory_space<semaphore_mem>>) src(%arg16 : memref<8x512xf32, #tpu.memory_space<vmem>>) dst(%dma_wait3A_132 : memref<8x512xf32, #tpu.memory_space<hbm>>)
      tpu.yield
    }) : () -> ()
    %cvconf_flat_gather_wait3A_117 = tpu.reinterpret_cast %arg3 : memref<4x64x384x512xf32, #tpu.memory_space<hbm>> -> memref<50331648xf32, #tpu.tiled<(8),[1]>, #tpu.memory_space<hbm>>
    %cvconf_flat_gather_wait3A_118 = tpu.reinterpret_cast %arg17 : memref<8x512xf32, #tpu.memory_space<vmem>> -> memref<4096xf32, #tpu.tiled<(128),[1]>, #tpu.memory_space<vmem>>
    tpu.wait_indirect_dma semaphore(%arg18 : memref<!tpu.dma_semaphore, #tpu.memory_space<semaphore_mem>>) src(%cvconf_flat_gather_wait3A_117 : memref<50331648xf32, #tpu.tiled<(8),[1]>, #tpu.memory_space<hbm>>) dst(%cvconf_flat_gather_wait3A_118 : memref<4096xf32, #tpu.tiled<(128),[1]>, #tpu.memory_space<vmem>>)
    %add3A_119 = arith.constant 40 : i32
    %add3A_120 = arith.addi %mul3A_32, %add3A_119 : i32
    %run_scoped3A_121 = arith.constant 0 : i32
    "tpu.region"() ({
      %run_scoped3A_122 = tpu.sem_alloc : memref<!tpu.dma_semaphore, #tpu.memory_space<semaphore_mem>>
      %dma_start3A = arith.constant 0 : i32
      %dma_start3A_123 = tpu.memref_slice %arg4[%select_n3A, %run_scoped3A_121, %add3A_120, %dma_start3A] : memref<4x1x384x512xf32, #tpu.memory_space<hbm>> -> memref<1x1x8x512xf32, #tpu.memory_space<hbm>>
      %dma_start3A_124 = tpu.memref_squeeze %dma_start3A_123 : memref<1x1x8x512xf32, #tpu.memory_space<hbm>> -> memref<8x512xf32, #tpu.memory_space<hbm>>
      %dma_start3A_125 = arith.constant 0 : i32
      %dma_start3A_126 = tpu.memref_slice %arg4[%select_n3A, %run_scoped3A_121, %add3A_120, %dma_start3A_125] : memref<4x1x384x512xf32, #tpu.memory_space<hbm>> -> memref<1x1x8x512xf32, #tpu.memory_space<hbm>>
      %dma_start3A_127 = tpu.memref_squeeze %dma_start3A_126 : memref<1x1x8x512xf32, #tpu.memory_space<hbm>> -> memref<8x512xf32, #tpu.memory_space<hbm>>
      tpu.enqueue_dma source(%arg17 : memref<8x512xf32, #tpu.memory_space<vmem>>) target(%dma_start3A_127 : memref<8x512xf32, #tpu.memory_space<hbm>>) target_semaphore(%run_scoped3A_122 : memref<!tpu.dma_semaphore, #tpu.memory_space<semaphore_mem>>)
      %dma_wait3A = arith.constant 0 : i32
      %dma_wait3A_128 = tpu.memref_slice %arg4[%select_n3A, %run_scoped3A_121, %add3A_120, %dma_wait3A] : memref<4x1x384x512xf32, #tpu.memory_space<hbm>> -> memref<1x1x8x512xf32, #tpu.memory_space<hbm>>
      %dma_wait3A_129 = tpu.memref_squeeze %dma_wait3A_128 : memref<1x1x8x512xf32, #tpu.memory_space<hbm>> -> memref<8x512xf32, #tpu.memory_space<hbm>>
      %dma_wait3A_130 = arith.constant 0 : i32
      %dma_wait3A_131 = tpu.memref_slice %arg4[%select_n3A, %run_scoped3A_121, %add3A_120, %dma_wait3A_130] : memref<4x1x384x512xf32, #tpu.memory_space<hbm>> -> memref<1x1x8x512xf32, #tpu.memory_space<hbm>>
      %dma_wait3A_132 = tpu.memref_squeeze %dma_wait3A_131 : memref<1x1x8x512xf32, #tpu.memory_space<hbm>> -> memref<8x512xf32, #tpu.memory_space<hbm>>
      tpu.wait_dma2 semaphore(%run_scoped3A_122 : memref<!tpu.dma_semaphore, #tpu.memory_space<semaphore_mem>>) src(%arg17 : memref<8x512xf32, #tpu.memory_space<vmem>>) dst(%dma_wait3A_132 : memref<8x512xf32, #tpu.memory_space<hbm>>)
      tpu.yield
    }) : () -> ()
    return
  }
}

</mosaic_0001>

<sc_bundles>
// kernel: kernel.3.cloned.1.call-start
scs
__scs_entry_jumppad:
0x0: {  	(pc) =	sbr.rel $0x88, $3  }
0x1: {  	(tag) =	ssettag $0x0;
	lr =	simm.s32 $0x1  }
0x2: {  	[smem:$0x3F9F] =	sst lr;
	_ =	strace $0xD0000000  }
0x3: {  	_ = 	snop  }
0x4: {  	_ = 	snop  }
0x5: {  	_ = 	snop  }
0x6: {  	_ = 	snop  }
0x7: {  	_ = 	snop  }
__scs_overlays_trampoline_lowered:
0x8: {  	[smem:$0x3FAE] =	sst s0  }
0x9: {  	[smem:$0x3FAF] =	sst s1  }
0xa: {  	[smem:$0x3FB0] =	sst s2  }
0xb: {  	[smem:$0x3FB1] =	sst s3  }
0xc: {  	[smem:$0x3FB2] =	sst s4  }
0xd: {  	[smem:$0x3FB3] =	sst s5  }
0xe: {  	[smem:$0x3FB4] =	sst s6  }
0xf: {  	[smem:$0x3FB5] =	sst s7  }
0x10: {  	[smem:$0x3FB6] =	sst s8  }
0x11: {  	[smem:$0x3FB7] =	sst s9;
	s0 =	simm.s32 @!p0 $0x0  }
0x12: {  	s1 =	sld [smem:$0x3F9D];
	s0 =	simm.s32 @p0 $0x1  }
0x13: {  	[smem:$0x3FB8] =	sst s0;
	s0 =	simm.s32 @!p1 $0x0  }
0x14: {  	s2 =	sld [smem:$0x3F9C];
	s0 =	simm.s32 @p1 $0x1  }
0x15: {  	[smem:$0x3FB9] =	sst s0;
	s0 =	simm.s32 @!p2 $0x0  }
0x16: {  	s3 =	sld [smem:$0x3FDB];
	s0 =	simm.s32 @p2 $0x1  }
0x17: {  	s4 =	simm.s32 $0x1BF5;
	[smem:$0x3FBB] =	sst s0  }
0x18: {  	s0 =	sld [smem:$0x3F9E];
	_ =	swait.ge [sflag:s4], $0x0  }
0x19: {  	s7 =	sld [smem:$0x3F9F]  }
0x1a: {  	s8 =	sadd.s32 $0xFFFFE003, lr  }
0x1b: {  	s9 =	sadd.s32 $0xFFFFFEF7, lr;
	s5 =	simm.s32 $0xFFFFFFFF;
	p2 =	slt.u32 s8, $0xFFFFF086  }
0x1c: {  	p1 =	slt.u32 s9, $0xF7A;
	s5 =	simm.s32 @!p2 $0x0  }
0x1d: {  	s5 =	simm.s32 @p1 $0x1;
	p0 =	seq.s32 s7, s2  }
0x1e: {  	s7 =	smul.u32 @!p0 $0xF7A, s2;
	p2 =	seq.s32 @!p0 s5, $0x0  }
0x1f: {  	s9 =	smul.u32 $0xF7A, s1;
	s8 =	simm.s32 @!p0 $0x1BF5;
	p2 =	por !p2, p0  }
0x20: {  	[sflag:s8] =	ssyncset.s32 @!p0 $0xFFFFF086;
	s6 =	sadd.s32 @!p0 s3, s7;
	s7 =	simm.s32 @!p0 $0x108  }
0x21: {  	s3 =	sadd.s32 s3, s9;
	s6 =	sadd.s32 @!p0 $0x88, s6;
	s7 =	simm.s32 @p2 $0x1082  }
0x22: {  	[simem:s7], [sflag:s8] =	dma.local @!p0 [hbm:s6], $0xF7A  }
0x23: {  	s9 =	sor.u32 $0xD0000000, s2;
	s6 =	simm.s32 $0x108;
	_ =	swait.ge @!p0 [sflag:s8], $0x0  }
0x24: {  	s3 =	sadd.s32 $0x88, s3;
	s6 =	simm.s32 @!p1 $0x1082;
	[sflag:s4] =	ssyncset.s32 $0xFFFFF086  }
0x25: {  	[simem:s6], [sflag:s4] =	dma.local [hbm:s3], $0xF7A  }
0x26: {  	[smem:$0x3F9F] =	sst s1;
	(tag) =	ssettag s2;
	_ =	strace s9  }
0x27: {  	s1 =	sld [smem:$0x3FAF]  }
0x28: {  	s2 =	sld [smem:$0x3FB0]  }
0x29: {  	s4 =	sld [smem:$0x3FB2]  }
0x2a: {  	p0 =	seq.s32 s5, $0x0;
	s5 =	sld [smem:$0x3FB3]  }
0x2b: {  	s6 =	sld [smem:$0x3FB4]  }
0x2c: {  	s7 =	sld [smem:$0x3FB5]  }
0x2d: {  	s3 =	simm.s32 $0x108;
	s8 =	sld [smem:$0x3FB6]  }
0x2e: {  	s3 =	simm.s32 @!p0 $0x1082;
	s9 =	sld [smem:$0x3FB7]  }
0x2f: {  	lr =	sadd.s32 s0, s3;
	s0 =	sld [smem:$0x3FAE]  }
0x30: {  	s3 =	sld [smem:$0x3FB1]  }
0x31: {  	[smem:$0x3FBA] =	sst s10  }
0x32: {  	s10 =	sld [smem:$0x3FB8];
	_ =	sdelay $0x3  }
0x33: {  	p0 =	seq.s32 s10, $0x1;
	s10 =	sld [smem:$0x3FBA];
	_ =	sdelay $0x3  }
0x34: {  	[smem:$0x3FBA] =	sst s10  }
0x35: {  	s10 =	sld [smem:$0x3FB9];
	_ =	sdelay $0x3  }
0x36: {  	p1 =	seq.s32 s10, $0x1;
	s10 =	sld [smem:$0x3FBA];
	_ =	sdelay $0x3  }
0x37: {  	[smem:$0x3FBA] =	sst s10  }
0x38: {  	s10 =	sld [smem:$0x3FBB]  }
0x39: {  	_ = 	snop;
	(pc) =	sbr.ind lr, $3  }
0x3a: {  	_ = 	snop  }
0x3b: {  	_ = 	snop  }
0x3c: {  	p2 =	seq.s32 s10, $0x1;
	s10 =	sld [smem:$0x3FBA]  }
0x3d: {  	_ =	shalt  }
0x3e: {  	_ =	shalt  }
0x3f: {  	_ =	shalt  }
0x40: {  	_ =	shalt  }
0x41: {  	_ =	shalt  }
0x42: {  	_ =	shalt  }
0x43: {  	_ =	shalt  }
0x44: {  	_ =	shalt  }
0x45: {  	_ =	shalt  }
0x46: {  	_ =	shalt  }
0x47: {  	_ =	shalt  }
0x48: {  	_ =	shalt  }
0x49: {  	_ =	shalt  }
0x4a: {  	_ =	shalt  }
0x4b: {  	_ =	shalt  }
0x4c: {  	_ =	shalt  }
0x4d: {  	_ =	shalt  }
0x4e: {  	_ =	shalt  }
0x4f: {  	_ =	shalt  }
0x50: {  	_ =	shalt  }
0x51: {  	_ =	shalt  }
0x52: {  	_ =	shalt  }
0x53: {  	_ =	shalt  }
0x54: {  	_ =	shalt  }
0x55: {  	_ =	shalt  }
0x56: {  	_ =	shalt  }
0x57: {  	_ =	shalt  }
0x58: {  	_ =	shalt  }
0x59: {  	_ =	shalt  }
0x5a: {  	_ =	shalt  }
0x5b: {  	_ =	shalt  }
0x5c: {  	_ =	shalt  }
0x5d: {  	_ =	shalt  }
0x5e: {  	_ =	shalt  }
0x5f: {  	_ =	shalt  }
0x60: {  	_ =	shalt  }
0x61: {  	_ =	shalt  }
0x62: {  	_ =	shalt  }
0x63: {  	_ =	shalt  }
0x64: {  	_ =	shalt  }
0x65: {  	_ =	shalt  }
0x66: {  	_ =	shalt  }
0x67: {  	_ =	shalt  }
0x68: {  	_ =	shalt  }
0x69: {  	_ =	shalt  }
0x6a: {  	_ =	shalt  }
0x6b: {  	_ =	shalt  }
0x6c: {  	_ =	shalt  }
0x6d: {  	_ =	shalt  }
0x6e: {  	_ =	shalt  }
0x6f: {  	_ =	shalt  }
0x70: {  	_ =	shalt  }
0x71: {  	_ =	shalt  }
0x72: {  	_ =	shalt  }
0x73: {  	_ =	shalt  }
0x74: {  	_ =	shalt  }
0x75: {  	_ =	shalt  }
0x76: {  	_ =	shalt  }
0x77: {  	_ =	shalt  }
0x78: {  	_ =	shalt  }
0x79: {  	_ =	shalt  }
0x7a: {  	_ =	shalt  }
0x7b: {  	_ =	shalt  }
0x7c: {  	_ =	shalt  }
0x7d: {  	_ =	shalt  }
0x7e: {  	_ =	shalt  }
0x7f: {  	_ =	shalt  }
0x80: {  	_ =	shalt  }
0x81: {  	_ =	shalt  }
0x82: {  	_ =	shalt  }
0x83: {  	_ =	shalt  }
0x84: {  	_ =	shalt  }
0x85: {  	_ =	shalt  }
0x86: {  	_ =	shalt  }
0x87: {  	_ =	shalt  }
.Lfunc_end0:
.L_simem_size_0:
called_computation_lowered:
.L_overlay_start_0:
0x88: {  	s2 =	sld [smem:$0x3FD9]  }
0x89: {  	s3 =	sld [smem:$0x3FFE];
	_ =	sdelay $0x1  }
0x8a: {  	s1 =	srdreg.scid  }
0x8b: {  	s0 =	sand.u32 $0x1, s1  }
0x8c: {  	s18 =	sshll.u32 s0, $0xA;
	s2 =	sadd.s32 s3, s2  }
0x8d: {  	s2 =	sadd.s32 s2, s18  }
0x8e: {  	[smem:$0x3FC6] =	sst s2  }
0x8f: {  	_ = 	snop  }
0x90: {  	s2 =	sld [smem:$0x3FC9]  }
0x91: {  	s19 =	sld [smem:$0x3FC8]  }
0x92: {  	s4 =	sld [smem:$0x3FD0];
	(tm) =	ssettm $0x1  }
0x93: {  	s5 =	sld [smem:$0x3FFB];
	_ =	sdelay $0x3  }
0x94: {  	_ =	strace s5  }
0x95: {  	s5 =	sld [smem:$0x3FFC];
	_ =	sdelay $0x3  }
0x96: {  	_ =	strace s5  }
0x97: {  	s5 =	sld [smem:$0x3FFD];
	_ =	sdelay $0x3  }
0x98: {  	_ =	strace s5  }
0x99: {  	_ =	strace $0x8FFFFFFF  }
0x9a: {  	s20 =	sld [smem:$0x3FDB];
	_ =	sdelay $0x1  }
0x9b: {  	s6 =	simm.s32 $_scs_section_size  }
0x9c: {  	s7 =	simm.s32 $_size__tile_overlayer_lowered;
	s8 =	simm.s32 $_tile_overlayer_lowered  }
0x9d: {  	s23 =	simm.s32 $0x1BFF;
	s22 =	sshll.u32 s8, $0x1;
	s5 =	sadd.s32 s6, s20  }
0x9e: {  	s9 =	simm.s32 $0x0;
	s21 =	sshll.u32 s7, $0x1;
	s7 =	sadd.s32 s22, s5  }
0x9f: {  	[timem:s9], [sflag:s23] =	dma.local [hbm:s7], s21  }
0xa0: {  	_ =	swait.ge [sflag:s23], s21  }
0xa1: {  	s6 =	ssub.s32 $0x0, s21;
	[sflag:s23] =	ssyncset.done $0x0  }
0xa2: {  	[sflag:s23] =	ssyncadd.s32 s6;
	_ =	sdelay $0x1  }
0xa3: {  	s24 =	simm.s32 $0x1B8B  }
0xa4: {  	_ =	swait.ge [sflag:s24], $0x1  }
0xa5: {  	[sflag:s24] =	ssyncset.done $0x0  }
0xa6: {  	s25 =	simm.s32 $0x1B8E;
	[sflag:s24] =	ssyncadd.s32 $0xFFFFFFFF  }
0xa7: {  	s26 =	simm.s32 $execute0_lowered;
	[smem:$0x3FD2] =	sst s25  }
0xa8: {  	s6 =	sshll.u32 s26, $0x1;
	_ =	strace $0x80000046;
	[dreg:$0x1] =	wrdreg $0xFFFFFFFF  }
0xa9: {  	s28 =	simm.s32 $_size_execute0_lowered;
	s5 =	sadd.s32 s5, s6;
	[dreg:$0x0] =	wrdreg $0x0  }
0xaa: {  	s6 =	sshll.u32 s28, $0x1;
	[dreg:$0x2] =	wrdreg s5  }
0xab: {  	[dreg:$0x3] =	wrdreg s6  }
0xac: {  	[dreg:$0x4] =	wrdreg $0xC0  }
0xad: {  	_ =	task [dreg:s9], $0x5FFFF  }
0xae: {  	[dreg:$0x1] =	wrdreg $0xFFFFFFFF  }
0xaf: {  	[dreg:$0x0] =	wrdreg $0x60  }
0xb0: {  	[dreg:$0x2] =	wrdreg s19  }
0xb1: {  	[dreg:$0x3] =	wrdreg s2  }
0xb2: {  	[dreg:$0x4] =	wrdreg s4  }
0xb3: {  	[dreg:$0x5] =	wrdreg $0x9  }
0xb4: {  	_ =	task.clear_ibuf [dreg:s9], $0x6FFFF;
	_ =	strace $0x90000046  }
0xb5: {  	s29 =	simm.s32 $0x9;
	_ =	strace $0x80000048  }
0xb6: {  	_ =	swait.ge [sflag:s29], $0x1  }
0xb7: {  	[sflag:s29] =	ssyncadd.s32 $0xFFFFFFFF  }
0xb8: {  	_ =	strace $0x90000048  }
0xb9: {  	_ =	sfence  }
0xba: {  	s30 =	sld [smem:$0x0];
	_ =	sdelay $0x2  }
0xbb: {  	s31 =	sshll.u32 s1, $0xD;
	s1 =	sshrl.u32 s1, $0x2  }
0xbc: {  	s3 =	sand.u32 $0x4000, s31;
	s1 =	sadd.s32 s1, s30  }
0xbd: {  	s0 =	sor.u32 s3, s0;
	s1 =	sshll.u32 s1, $0x11  }
0xbe: {  	s0 =	sor.u32 s1, s0  }
0xbf: {  	s0 =	sadd.s32 $0x8F2B, s0  }
0xc0: {  	[sflag:s0] =	ssyncadd.remote.s32 $0x1  }
0xc1: {  	_ =	sfence.sel $0xFFFF  }
0xc2: {  	[dreg:$0x0] =	wrdreg $0xFFFFFFFF;
	(pc) =	sbr.abs _section_cstart, $3  }
0xc3: {  	[dreg:$0x1] =	wrdreg $0xFFFFFFFF  }
0xc4: {  	_ =	task.clear_ibuf [dreg:s9], $0x2FFFF;
	_ =	strace $0x9FFFFFFF  }
0xc5: {  	(tm) =	ssettm $0x7FFFFFFF  }
tec
execute0_lowered:
.L_overlay_start_1:
0x0: {  	(tag) =	ssettag $0x1  }
0x1: {  	s0 =	rddreg [dreg:$0x0]  }
0x2: {  	s4 =	stileid.u32;
	s1 =	rddreg [dreg:$0x1]  }
0x3: {  	s2 =	srdreg.scid;
	s5 =	rddreg [dreg:$0x2];
	s19 =	simm.s32 $0x2  }
0x4: {  	s20 =	simm.s32 $0x1000;
	s18 =	simm.s32 $0xC000;
	s3 =	sshll.u32 s4, $0x1  }
0x5: {  	s2 =	sand.u32 $0x1, s2;
	s4 =	sshrl.u32 s4, $0x2;
	s3 =	sand.u32 $0x6, s3  }
0x6: {  	s21 =	simm.s32 $0x1;
	s7 =	smul.u32 $0x30000, s4;
	s6 =	sor.u32 s2, s3  }
0x7: {  	s3 =	simm.s32 $0x0;
	s2 =	ssub.s32 $0x2, s2;
	s8 =	smul.u32 $0x6000, s6  }
0x8: {  	s23 =	simm.s32 $0x0;
	[smem:$0x7FF] =	sst s3;
	s9 =	sshrl.u32 s2, $0x1  }
0x9: {  	s6 =	smul.u32 $0x30, s6;
	s2 =	ssub.s32 s2, s9;
	s7 =	sadd.s32 s7, s8  }
0xa: {  	_ =	strace $0x80000047;
	s31 =	smax.u32 s2, $0x1;
	s10 =	sshrl.u32 s7, $0x3  }
0xb: {  	[dreg:$0xa] =	wrdreg s31;
	s0 =	sadd.s32 s0, s10;
	s10 =	sadd.s32 s5, s10  }
0xc: {  	s4 =	smul.u32 $0xC00000, s4;
	[dreg:$0x4] =	wrdreg s0;
	s25 =	sadd.s32 $0x200, s10  }
0xd: {  	s6 =	sshrl.u32 s6, $0x1;
	s26 =	sadd.s32 $0x400, s10;
	[dreg:$0x5] =	wrdreg s25  }
0xe: {  	s7 =	sor.u32 $0x1000, s4;
	s28 =	sadd.s32 $0x600, s10;
	[dreg:$0x6] =	wrdreg s26  }
0xf: {  	s8 =	sadd.s32 $0x8, s6;
	s29 =	sadd.s32 $0x800, s10;
	[dreg:$0x7] =	wrdreg s28  }
0x10: {  	s9 =	sadd.s32 $0xC, s6;
	s30 =	sadd.s32 $0xA00, s10;
	[dreg:$0x8] =	wrdreg s29  }
0x11: {  	v0 =	vlaneseq.u32;
	s11 =	sadd.s32 $0x10, s6;
	s12 =	sadd.s32 $0x14, s6;
	[dreg:$0x9] =	wrdreg s30  }
.LBB2_1:
0x12: {  	s0 =	rddreg [dreg:$0x4];
	s2 =	sand.u32 $0x18, s3  }
0x13: {  	[tilespmem:s3], [sflag:$0x2] =	stream.linear.gather [hbm4b:s0+s3], $0x6000, $0x38;
	[tilespmem:$0x12000] =	vst v63  }
0x14: {  	s2 =	sadd.s32 $0x0, s2;
	_ =	swait.ge [sflag:s19], $0x6000  }
0x15: {  	s30 =	sand.u32 $0x70, s3;
	s2 =	sshll.u32 s2, $0x7;
	[sflag:s19] =	ssyncset.done $0x0  }
0x16: {  	s25 =	sor.u32 s30, s2;
	[sflag:s19] =	ssyncadd.s32 $0xFFFFA000  }
0x17: {  	v1 =	vld [tilespmem:s25+$0x0];
	_ =	sdelay $0x4  }
0x18: {  	v1 =	vadd.f32 $5.000000000e-01, v1  }
0x19: {  	s22 =	simm.s32 $0x1  }
0x1a: {  	s13 =	sand.u32 $0x18, s22;
	v1 =	vtrunc.f32 v1  }
0x1b: {  	s29 =	simm.s32 $0x10;
	s13 =	sadd.s32 $0x0, s13;
	v1 =	vcvt.f32.s32 v1  }
0x1c: {  	s2 =	sand.u32 $0x70, s29;
	s15 =	sshll.u32 s13, $0x7  }
0x1d: {  	s14 =	simm.s32 $0x0;
	s28 =	sor.u32 s2, s15;
	vm0 =	vgt.s32 v1, $0x0  }
0x1e: {  	s14 =	sand.u32 $0x3, s14;
	v2 =	vnsel vm0, $0x0, v1;
	v1 =	vld [tilespmem:s28+$0x0]  }
0x1f: {  	s5 =	simm.s32 $0x0;
	s24 =	simm.s32 $0x0;
	s31 =	sor.u32 s6, s14  }
0x20: {  	s26 =	simm.s32 $0x3;
	s13 =	simm.s32 $0x2;
	s15 =	sshll.u32 s31, $0xA  }
0x21: {  	s14 =	simm.s32 $0x20;
	s16 =	sand.u32 $0x18, s13;
	s15 =	sadd.s32 $0x0, s15;
	v2 =	vmin.u32 v2, $0x3F  }
.LBB2_2:
0x22: {  	p0 =	sne.s32 s26, $0xFF;
	s16 =	sadd.s32 s16, s24;
	s15 =	sor.u32 s30, s15  }
0x23: {  	v1 =	vadd.f32 $5.000000000e-01, v1;
	v2 =	vmul.u32 $0x30000, v2;
	s30 =	smov.u32 s2;
	s17 =	smov.u32 s5;
	s5 =	smov.u32 s24  }
0x24: {  	s2 =	sand.u32 $0x70, s14;
	s16 =	sshll.u32 s16, $0x7;
	s15 =	sor.u32 s4, s15  }
0x25: {  	s16 =	sor.u32 s2, s16;
	v3 =	vtrunc.f32 v1;
	v2 =	vadd.s32 s15, v2  }
.Ltmp0:
0x26: {  	s15 =	sshrl.u32 s22, $0x3;
	s22 =	smov.u32 s13;
	v1 =	vld [tilespmem:s16+$0x0];
	v3 =	vcvt.f32.s32 v3;
	v2 =	vadd.s32 v0, v2;
	(pc) =	sbr.rel @p0 .LBB2_2-.Ltmp0, $4  }
0x27: {  	s13 =	sand.u32 $0x3, s15;
	[tilespmem:s25+$0x6000] =	vst v2;
	s25 =	smov.u32 s28;
	s28 =	smov.u32 s16  }
0x28: {  	s14 =	sadd.s32 $0x10, s14;
	s15 =	sor.u32 s6, s13;
	s13 =	smov.u32 s26;
	vm0 =	vgt.s32 v3, $0x0  }
0x29: {  	s24 =	sshrl.u32 s26, $0x5;
	s17 =	sshll.u32 s17, $0x7;
	s15 =	sshll.u32 s15, $0xA;
	v2 =	vnsel vm0, $0x0, v3  }
0x2a: {  	s26 =	sadd.s32 $0x1, s26;
	s16 =	sand.u32 $0x18, s13;
	s15 =	sadd.s32 s17, s15;
	v2 =	vmin.u32 v2, $0x3F  }
0x2b: {  	s16 =	sadd.s32 s16, s24  }
0x2c: {  	s14 =	sand.u32 $0x70, s14;
	s16 =	sshll.u32 s16, $0x7  }
0x2d: {  	s16 =	sor.u32 s14, s16  }
0x2e: {  	v3 =	vld [tilespmem:s16+$0x0];
	_ =	sdelay $0x3  }
0x2f: {  	v1 =	vadd.f32 $5.000000000e-01, v1  }
0x30: {  	v3 =	vadd.f32 $5.000000000e-01, v3  }
0x31: {  	v1 =	vtrunc.f32 v1  }
0x32: {  	s17 =	sshrl.u32 s22, $0x3;
	v1 =	vcvt.f32.s32 v1;
	v3 =	vtrunc.f32 v3  }
0x33: {  	s13 =	sshrl.u32 s13, $0x3;
	s17 =	sand.u32 $0x3, s17;
	v3 =	vcvt.f32.s32 v3  }
0x34: {  	s15 =	sor.u32 s30, s15;
	s13 =	sand.u32 $0x3, s13;
	s17 =	sor.u32 s6, s17;
	vm0 =	vgt.s32 v1, $0x0  }
0x35: {  	s5 =	sshll.u32 s5, $0x7;
	s13 =	sor.u32 s6, s13;
	s17 =	sshll.u32 s17, $0xA;
	v1 =	vnsel vm0, $0x0, v1;
	vm14 =	vgt.s32 v3, $0x0  }
0x36: {  	v2 =	vmul.u32 $0x30000, v2;
	s26 =	sshll.u32 s24, $0x7;
	s13 =	sshll.u32 s13, $0xA;
	s5 =	sadd.s32 s5, s17;
	v1 =	vmin.u32 v1, $0x3F;
	v3 =	vnsel vm14, $0x0, v3  }
0x37: {  	s15 =	sor.u32 s4, s15;
	s0 =	sadd.s32 s26, s13;
	s2 =	sor.u32 s2, s5;
	v1 =	vmul.u32 $0x30000, v1;
	v3 =	vmin.u32 v3, $0x3F  }
0x38: {  	v2 =	vadd.s32 s15, v2;
	s5 =	sor.u32 s14, s0;
	s2 =	sor.u32 s4, s2;
	v3 =	vmul.u32 $0x30000, v3  }
0x39: {  	v2 =	vadd.s32 v0, v2;
	s13 =	simm.s32 $0x0;
	s17 =	simm.s32 $0x0;
	s5 =	sor.u32 s4, s5;
	v1 =	vadd.s32 s2, v1  }
0x3a: {  	[tilespmem:s25+$0x6000] =	vst v2;
	s14 =	sand.u32 $0xC00, s13;
	s15 =	sand.u32 $0x3FFFFF80, s17;
	v1 =	vadd.s32 v0, v1;
	v2 =	vadd.s32 s5, v3  }
0x3b: {  	s2 =	sand.u32 $0x70, s13;
	[tilespmem:s28+$0x6000] =	vst v1;
	s5 =	sadd.s32 s14, s15;
	v1 =	vadd.s32 v0, v2  }
0x3c: {  	s0 =	simm.s32 $0x6000;
	s25 =	sor.u32 s2, s5;
	[tilespmem:s16+$0x6000] =	vst v1  }
0x3d: {  	[tilespmem:s18], [sflag:$0x1] =	stream.indirect.gather [hbm4b:s1+s20], $0x1, s0, s20, $0xb8;
	[tilespmem:$0x12000] =	vst v63  }
0x3e: {  	v1 =	vld [tilespmem:s25+$0x1000];
	_ =	sdelay $0x4  }
0x3f: {  	v1 =	vadd.f32 $5.000000000e-01, v1;
	_ =	sdelay $0x1  }
0x40: {  	s22 =	simm.s32 $0x4;
	s16 =	simm.s32 $0x80;
	v1 =	vtrunc.f32 v1  }
0x41: {  	s18 =	simm.s32 $0x10;
	s26 =	sand.u32 $0xC00, s16;
	s0 =	sand.u32 $0x3FFFFF80, s22;
	v1 =	vcvt.f32.s32 v1  }
0x42: {  	s30 =	sand.u32 $0x70, s18;
	s16 =	sadd.s32 s26, s0  }
0x43: {  	s17 =	sand.u32 $0xFFFFFF80, s17;
	s28 =	sor.u32 s30, s16;
	vm15 =	vgt.s32 v1, $0x0  }
0x44: {  	s24 =	simm.s32 $0x1;
	s29 =	simm.s32 $0x3;
	s17 =	sadd.s32 s17, s7;
	v2 =	vnsel vm15, $0x0, v1;
	v1 =	vld [tilespmem:s28+$0x1000]  }
0x45: {  	s13 =	simm.s32 $0x20;
	s14 =	simm.s32 $0x100;
	s18 =	simm.s32 $0x0  }
0x46: {  	s5 =	simm.s32 $0x2;
	s26 =	simm.s32 $0x8;
	s31 =	sand.u32 $0x3, s18  }
0x47: {  	s15 =	sand.u32 $0xC00, s14;
	s16 =	sand.u32 $0x3FFFFF80, s26;
	s31 =	sor.u32 s6, s31;
	v2 =	vmin.u32 v2, $0x3F  }
.LBB2_4:
0x48: {  	p0 =	sne.s32 s29, $0xFF;
	s31 =	sshll.u32 s31, $0xA;
	s17 =	sor.u32 s2, s17  }
0x49: {  	v1 =	vadd.f32 $5.000000000e-01, v1;
	v2 =	vmul.u32 $0x30000, v2;
	s2 =	smov.u32 s30;
	s18 =	smov.u32 s28;
	s0 =	smov.u32 s22  }
0x4a: {  	s30 =	sand.u32 $0x70, s13;
	s15 =	sadd.s32 s15, s16;
	s16 =	sadd.s32 s31, s17  }
0x4b: {  	s22 =	smov.u32 s26;
	s28 =	sor.u32 s30, s15;
	s15 =	smov.u32 s24;
	v3 =	vtrunc.f32 v1;
	v2 =	vadd.s32 s16, v2  }
.Ltmp1:
0x4c: {  	s24 =	smov.u32 s5;
	s5 =	smov.u32 s29;
	v1 =	vld [tilespmem:s28+$0x1000];
	v3 =	vcvt.f32.s32 v3;
	v2 =	vadd.s32 v0, v2;
	(pc) =	sbr.rel @p0 .LBB2_4-.Ltmp1, $4  }
0x4d: {  	s13 =	sadd.s32 $0x10, s13;
	s15 =	sshrl.u32 s15, $0x3;
	[tilespmem:s25+$0x7000] =	vst v2;
	s25 =	smov.u32 s18  }
0x4e: {  	s26 =	sshll.u32 s29, $0x2;
	s14 =	sadd.s32 $0x80, s14;
	s17 =	sand.u32 $0x3, s15;
	vm0 =	vgt.s32 v3, $0x0  }
0x4f: {  	s0 =	sand.u32 $0xFFFFFF80, s0;
	s16 =	sand.u32 $0x3FFFFF80, s26;
	s15 =	sand.u32 $0xC00, s14;
	v2 =	vnsel vm0, $0x0, v3  }
0x50: {  	s29 =	sadd.s32 $0x1, s29;
	s31 =	sor.u32 s6, s17;
	s17 =	sadd.s32 s0, s7;
	v2 =	vmin.u32 v2, $0x3F  }
0x51: {  	s0 =	sand.u32 $0x70, s13;
	s16 =	sadd.s32 s15, s16  }
0x52: {  	s13 =	sor.u32 s0, s16  }
0x53: {  	v3 =	vld [tilespmem:s13+$0x1000];
	_ =	sdelay $0x3  }
0x54: {  	v1 =	vadd.f32 $5.000000000e-01, v1  }
0x55: {  	v3 =	vadd.f32 $5.000000000e-01, v3  }
0x56: {  	v1 =	vtrunc.f32 v1  }
0x57: {  	v1 =	vcvt.f32.s32 v1;
	v3 =	vtrunc.f32 v3  }
0x58: {  	s14 =	sshll.u32 s31, $0xA;
	s2 =	sor.u32 s2, s17;
	s17 =	sshrl.u32 s24, $0x3;
	v3 =	vcvt.f32.s32 v3  }
0x59: {  	s24 =	sand.u32 $0xFFFFFF80, s22;
	s5 =	sshrl.u32 s5, $0x3;
	s26 =	sand.u32 $0xFFFFFF80, s26;
	vm0 =	vgt.s32 v1, $0x0  }
0x5a: {  	s2 =	sadd.s32 s14, s2;
	s18 =	sand.u32 $0x3, s17;
	s15 =	sadd.s32 s24, s7;
	v1 =	vnsel vm0, $0x0, v1;
	vm14 =	vgt.s32 v3, $0x0  }
0x5b: {  	v2 =	vmul.u32 $0x30000, v2;
	s5 =	sand.u32 $0x3, s5;
	s16 =	sadd.s32 s26, s7;
	s14 =	sor.u32 s6, s18;
	v1 =	vmin.u32 v1, $0x3F;
	v3 =	vnsel vm14, $0x0, v3  }
0x5c: {  	s15 =	sor.u32 s30, s15;
	s5 =	sor.u32 s6, s5;
	s14 =	sshll.u32 s14, $0xA;
	v1 =	vmul.u32 $0x30000, v1;
	v3 =	vmin.u32 v3, $0x3F  }
0x5d: {  	v2 =	vadd.s32 s2, v2;
	s0 =	sor.u32 s0, s16;
	s5 =	sshll.u32 s5, $0xA;
	s14 =	sadd.s32 s14, s15;
	v3 =	vmul.u32 $0x30000, v3  }
0x5e: {  	s16 =	simm.s32 $0x0;
	s2 =	simm.s32 $0x0;
	v2 =	vadd.s32 v0, v2;
	s0 =	sadd.s32 s5, s0;
	v1 =	vadd.s32 s14, v1  }
0x5f: {  	s17 =	sand.u32 $0xC00, s16;
	s18 =	sand.u32 $0x3FFFFF80, s2;
	[tilespmem:s25+$0x7000] =	vst v2;
	v1 =	vadd.s32 v0, v1;
	v2 =	vadd.s32 s0, v3  }
0x60: {  	s5 =	sadd.s32 s17, s18;
	[tilespmem:s28+$0x7000] =	vst v1;
	s0 =	sand.u32 $0x70, s16;
	v1 =	vadd.s32 v0, v2  }
0x61: {  	s31 =	simm.s32 $0xD000;
	s15 =	simm.s32 $0x7000;
	s25 =	sor.u32 s0, s5;
	[tilespmem:s13+$0x7000] =	vst v1  }
0x62: {  	[tilespmem:s31], [sflag:$0x1] =	stream.indirect.gather [hbm4b:s1+s20], $0x1, s15, s20, $0xb8;
	[tilespmem:$0x12000] =	vst v63  }
0x63: {  	v1 =	vld [tilespmem:s25+$0x2000];
	_ =	sdelay $0x3  }
0x64: {  	s22 =	simm.s32 $0x80;
	s5 =	simm.s32 $0x4  }
0x65: {  	s24 =	simm.s32 $0x10;
	s13 =	sand.u32 $0xC00, s22;
	s26 =	sand.u32 $0x3FFFFF80, s5;
	v1 =	vadd.f32 $5.000000000e-01, v1  }
0x66: {  	s30 =	sand.u32 $0x70, s24;
	s13 =	sadd.s32 s13, s26  }
0x67: {  	s28 =	sor.u32 s30, s13;
	v1 =	vtrunc.f32 v1  }
0x68: {  	s16 =	simm.s32 $0x0;
	v2 =	vld [tilespmem:s28+$0x2000];
	v1 =	vcvt.f32.s32 v1  }
0x69: {  	s13 =	sand.u32 $0x3, s16  }
0x6a: {  	s13 =	sor.u32 s8, s13;
	vm15 =	vgt.s32 v1, $0x0  }
0x6b: {  	s17 =	sand.u32 $0xFFFFFF80, s2;
	s2 =	simm.s32 $0x8;
	s13 =	sshll.u32 s13, $0xA;
	v1 =	vnsel vm15, $0x0, v1  }
0x6c: {  	s24 =	sand.u32 $0x3FFFFF80, s2;
	s26 =	simm.s32 $0x100;
	s13 =	sadd.s32 s4, s13;
	v1 =	vmin.u32 v1, $0x3F  }
0x6d: {  	s22 =	simm.s32 $0x20;
	s18 =	sand.u32 $0xC00, s26;
	s14 =	sadd.s32 s17, s13;
	v2 =	vadd.f32 $5.000000000e-01, v2;
	v1 =	vmul.u32 $0x30000, v1  }
0x6e: {  	s15 =	sadd.s32 s18, s24;
	s13 =	sand.u32 $0x70, s22;
	s0 =	sor.u32 s0, s14  }
0x6f: {  	s24 =	sor.u32 s13, s15;
	v2 =	vtrunc.f32 v2;
	v4 =	vadd.s32 s0, v1  }
0x70: {  	s29 =	simm.s32 $0x3;
	s14 =	simm.s32 $0x2;
	s15 =	simm.s32 $0x0;
	v3 =	vcvt.f32.s32 v2;
	v1 =	vld [tilespmem:s24+$0x2000];
	v2 =	vadd.s32 v0, v4  }
.LBB2_6:
0x71: {  	p0 =	sne.s32 s29, $0xFF;
	s0 =	sand.u32 $0x3, s15;
	s16 =	smov.u32 s29  }
0x72: {  	[tilespmem:s25+$0x8000] =	vst v2;
	s29 =	sadd.s32 $0x1, s29;
	s17 =	smov.u32 s13;
	s25 =	smov.u32 s28  }
0x73: {  	s28 =	smov.u32 s24;
	s22 =	sadd.s32 $0x10, s22;
	vm0 =	vgt.s32 v3, $0x0;
	s0 =	sor.u32 s8, s0  }
0x74: {  	s5 =	sand.u32 $0xFFFFFF80, s5;
	s26 =	sadd.s32 $0x80, s26;
	v2 =	vnsel vm0, $0x0, v3;
	s0 =	sshll.u32 s0, $0xA  }
.Ltmp2:
0x75: {  	s15 =	sshll.u32 s16, $0x2;
	v2 =	vmin.u32 v2, $0x3F;
	s0 =	sadd.s32 s4, s0;
	(pc) =	sbr.rel @p0 .LBB2_6-.Ltmp2, $4  }
0x76: {  	s18 =	sand.u32 $0xC00, s26;
	s24 =	sand.u32 $0x3FFFFF80, s15;
	v1 =	vadd.f32 $5.000000000e-01, v1;
	s0 =	sadd.s32 s5, s0;
	v2 =	vmul.u32 $0x30000, v2  }
0x77: {  	s13 =	sand.u32 $0x70, s22;
	s5 =	sadd.s32 s18, s24;
	s0 =	sor.u32 s30, s0  }
0x78: {  	s24 =	sor.u32 s13, s5;
	s5 =	smov.u32 s2;
	s2 =	smov.u32 s15;
	v3 =	vtrunc.f32 v1;
	v2 =	vadd.s32 s0, v2  }
0x79: {  	s15 =	sshrl.u32 s14, $0x3;
	s14 =	smov.u32 s16;
	s30 =	smov.u32 s17;
	v1 =	vld [tilespmem:s24+$0x2000];
	v3 =	vcvt.f32.s32 v3;
	v2 =	vadd.s32 v0, v2  }
0x7a: {  	_ =	sdelay $0x3  }
0x7b: {  	v1 =	vadd.f32 $5.000000000e-01, v1;
	_ =	sdelay $0x1  }
0x7c: {  	v1 =	vtrunc.f32 v1  }
0x7d: {  	s0 =	sand.u32 $0x3, s15;
	s14 =	sshrl.u32 s14, $0x3;
	v1 =	vcvt.f32.s32 v1  }
0x7e: {  	vm0 =	vgt.s32 v3, $0x0;
	s0 =	sor.u32 s8, s0;
	s14 =	sand.u32 $0x3, s14  }
0x7f: {  	v3 =	vnsel vm0, $0x0, v3;
	s0 =	sshll.u32 s0, $0xA;
	s14 =	sor.u32 s8, s14;
	vm14 =	vgt.s32 v1, $0x0  }
0x80: {  	s5 =	sand.u32 $0xFFFFFF80, s5;
	v3 =	vmin.u32 v3, $0x3F;
	s0 =	sadd.s32 s4, s0;
	s14 =	sshll.u32 s14, $0xA;
	v1 =	vnsel vm14, $0x0, v1  }
0x81: {  	s2 =	sand.u32 $0xFFFFFF80, s2;
	s0 =	sadd.s32 s5, s0;
	v3 =	vmul.u32 $0x30000, v3;
	s15 =	sadd.s32 s4, s14;
	v1 =	vmin.u32 v1, $0x3F  }
0x82: {  	s0 =	sor.u32 s30, s0;
	s2 =	sadd.s32 s2, s15;
	v1 =	vmul.u32 $0x30000, v1  }
0x83: {  	v3 =	vadd.s32 s0, v3;
	s16 =	sor.u32 s13, s2  }
0x84: {  	[tilespmem:s25+$0x8000] =	vst v2;
	v2 =	vadd.s32 v0, v3;
	v1 =	vadd.s32 s16, v1  }
0x85: {  	s17 =	simm.s32 $0x8000;
	[tilespmem:s28+$0x8000] =	vst v2;
	v1 =	vadd.s32 v0, v1  }
0x86: {  	s18 =	simm.s32 $0xE000;
	s22 =	simm.s32 $0x0;
	[tilespmem:s24+$0x8000] =	vst v1;
	s24 =	simm.s32 $0x0  }
0x87: {  	[tilespmem:s18], [sflag:$0x1] =	stream.indirect.gather [hbm4b:s1+s20], $0x1, s17, s20, $0xb8;
	[tilespmem:$0x12000] =	vst v63  }
0x88: {  	s25 =	sand.u32 $0xC00, s22;
	s26 =	sand.u32 $0x3FFFFF80, s24  }
0x89: {  	s0 =	sand.u32 $0x70, s22;
	s5 =	sadd.s32 s25, s26  }
0x8a: {  	s25 =	sor.u32 s0, s5  }
0x8b: {  	v1 =	vld [tilespmem:s25+$0x3000];
	_ =	sdelay $0x3  }
0x8c: {  	s14 =	simm.s32 $0x80;
	s5 =	simm.s32 $0x4  }
0x8d: {  	s15 =	simm.s32 $0x10;
	s13 =	sand.u32 $0xC00, s14;
	s16 =	sand.u32 $0x3FFFFF80, s5;
	v1 =	vadd.f32 $5.000000000e-01, v1  }
0x8e: {  	s30 =	sand.u32 $0x70, s15;
	s13 =	sadd.s32 s13, s16  }
0x8f: {  	s28 =	sor.u32 s30, s13;
	v1 =	vtrunc.f32 v1  }
0x90: {  	s17 =	simm.s32 $0x0;
	v2 =	vld [tilespmem:s28+$0x3000];
	v1 =	vcvt.f32.s32 v1  }
0x91: {  	s13 =	sand.u32 $0x3, s17  }
0x92: {  	s13 =	sor.u32 s9, s13;
	vm15 =	vgt.s32 v1, $0x0  }
0x93: {  	s22 =	simm.s32 $0x20;
	s2 =	simm.s32 $0x8;
	s13 =	sshll.u32 s13, $0xA;
	v1 =	vnsel vm15, $0x0, v1  }
0x94: {  	s18 =	sand.u32 $0xFFFFFF80, s24;
	s26 =	simm.s32 $0x100;
	s13 =	sadd.s32 s4, s13;
	v1 =	vmin.u32 v1, $0x3F  }
0x95: {  	s24 =	sand.u32 $0xC00, s26;
	s16 =	sand.u32 $0x3FFFFF80, s2;
	s14 =	sadd.s32 s18, s13;
	v2 =	vadd.f32 $5.000000000e-01, v2;
	v1 =	vmul.u32 $0x30000, v1  }
0x96: {  	s15 =	sadd.s32 s24, s16;
	s13 =	sand.u32 $0x70, s22;
	s0 =	sor.u32 s0, s14  }
0x97: {  	s24 =	sor.u32 s13, s15;
	v2 =	vtrunc.f32 v2;
	v4 =	vadd.s32 s0, v1  }
0x98: {  	s29 =	simm.s32 $0x3;
	s14 =	simm.s32 $0x2;
	s15 =	simm.s32 $0x0;
	v3 =	vcvt.f32.s32 v2;
	v1 =	vld [tilespmem:s24+$0x3000];
	v2 =	vadd.s32 v0, v4  }
.LBB2_8:
0x99: {  	p0 =	sne.s32 s29, $0xFF;
	s0 =	sand.u32 $0x3, s15;
	s16 =	smov.u32 s29  }
0x9a: {  	[tilespmem:s25+$0x9000] =	vst v2;
	s29 =	sadd.s32 $0x1, s29;
	s17 =	smov.u32 s13;
	s25 =	smov.u32 s28  }
0x9b: {  	s28 =	smov.u32 s24;
	s22 =	sadd.s32 $0x10, s22;
	vm0 =	vgt.s32 v3, $0x0;
	s0 =	sor.u32 s9, s0  }
0x9c: {  	s5 =	sand.u32 $0xFFFFFF80, s5;
	s26 =	sadd.s32 $0x80, s26;
	v2 =	vnsel vm0, $0x0, v3;
	s0 =	sshll.u32 s0, $0xA  }
.Ltmp3:
0x9d: {  	s15 =	sshll.u32 s16, $0x2;
	v2 =	vmin.u32 v2, $0x3F;
	s0 =	sadd.s32 s4, s0;
	(pc) =	sbr.rel @p0 .LBB2_8-.Ltmp3, $4  }
0x9e: {  	s18 =	sand.u32 $0xC00, s26;
	s24 =	sand.u32 $0x3FFFFF80, s15;
	v1 =	vadd.f32 $5.000000000e-01, v1;
	s0 =	sadd.s32 s5, s0;
	v2 =	vmul.u32 $0x30000, v2  }
0x9f: {  	s13 =	sand.u32 $0x70, s22;
	s5 =	sadd.s32 s18, s24;
	s0 =	sor.u32 s30, s0  }
0xa0: {  	s24 =	sor.u32 s13, s5;
	s5 =	smov.u32 s2;
	s2 =	smov.u32 s15;
	v3 =	vtrunc.f32 v1;
	v2 =	vadd.s32 s0, v2  }
0xa1: {  	s15 =	sshrl.u32 s14, $0x3;
	s14 =	smov.u32 s16;
	s30 =	smov.u32 s17;
	v1 =	vld [tilespmem:s24+$0x3000];
	v3 =	vcvt.f32.s32 v3;
	v2 =	vadd.s32 v0, v2  }
0xa2: {  	_ =	sdelay $0x3  }
0xa3: {  	v1 =	vadd.f32 $5.000000000e-01, v1;
	_ =	sdelay $0x1  }
0xa4: {  	v1 =	vtrunc.f32 v1  }
0xa5: {  	s0 =	sand.u32 $0x3, s15;
	s14 =	sshrl.u32 s14, $0x3;
	v1 =	vcvt.f32.s32 v1  }
0xa6: {  	vm0 =	vgt.s32 v3, $0x0;
	s0 =	sor.u32 s9, s0;
	s14 =	sand.u32 $0x3, s14  }
0xa7: {  	v3 =	vnsel vm0, $0x0, v3;
	s0 =	sshll.u32 s0, $0xA;
	s14 =	sor.u32 s9, s14;
	vm14 =	vgt.s32 v1, $0x0  }
0xa8: {  	s5 =	sand.u32 $0xFFFFFF80, s5;
	v3 =	vmin.u32 v3, $0x3F;
	s0 =	sadd.s32 s4, s0;
	s14 =	sshll.u32 s14, $0xA;
	v1 =	vnsel vm14, $0x0, v1  }
0xa9: {  	s2 =	sand.u32 $0xFFFFFF80, s2;
	s0 =	sadd.s32 s5, s0;
	v3 =	vmul.u32 $0x30000, v3;
	s15 =	sadd.s32 s4, s14;
	v1 =	vmin.u32 v1, $0x3F  }
0xaa: {  	s0 =	sor.u32 s30, s0;
	s2 =	sadd.s32 s2, s15;
	v1 =	vmul.u32 $0x30000, v1  }
0xab: {  	v3 =	vadd.s32 s0, v3;
	s16 =	sor.u32 s13, s2  }
0xac: {  	[tilespmem:s25+$0x9000] =	vst v2;
	v2 =	vadd.s32 v0, v3;
	v1 =	vadd.s32 s16, v1  }
0xad: {  	s17 =	simm.s32 $0x9000;
	[tilespmem:s28+$0x9000] =	vst v2;
	v1 =	vadd.s32 v0, v1  }
0xae: {  	s18 =	simm.s32 $0xF000;
	s22 =	simm.s32 $0x0;
	[tilespmem:s24+$0x9000] =	vst v1;
	s24 =	simm.s32 $0x0  }
0xaf: {  	[tilespmem:s18], [sflag:$0x1] =	stream.indirect.gather [hbm4b:s1+s20], $0x1, s17, s20, $0xb8;
	[tilespmem:$0x12000] =	vst v63  }
0xb0: {  	s25 =	sand.u32 $0xC00, s22;
	s26 =	sand.u32 $0x3FFFFF80, s24  }
0xb1: {  	s0 =	sand.u32 $0x70, s22;
	s5 =	sadd.s32 s25, s26  }
0xb2: {  	s25 =	sor.u32 s0, s5  }
0xb3: {  	v1 =	vld [tilespmem:s25+$0x4000];
	_ =	sdelay $0x3  }
0xb4: {  	s14 =	simm.s32 $0x80;
	s5 =	simm.s32 $0x4  }
0xb5: {  	s15 =	simm.s32 $0x10;
	s13 =	sand.u32 $0xC00, s14;
	s16 =	sand.u32 $0x3FFFFF80, s5;
	v1 =	vadd.f32 $5.000000000e-01, v1  }
0xb6: {  	s30 =	sand.u32 $0x70, s15;
	s13 =	sadd.s32 s13, s16  }
0xb7: {  	s28 =	sor.u32 s30, s13;
	v1 =	vtrunc.f32 v1  }
0xb8: {  	s17 =	simm.s32 $0x0;
	v2 =	vld [tilespmem:s28+$0x4000];
	v1 =	vcvt.f32.s32 v1  }
0xb9: {  	s13 =	sand.u32 $0x3, s17  }
0xba: {  	s13 =	sor.u32 s11, s13;
	vm15 =	vgt.s32 v1, $0x0  }
0xbb: {  	s22 =	simm.s32 $0x20;
	s2 =	simm.s32 $0x8;
	s13 =	sshll.u32 s13, $0xA;
	v1 =	vnsel vm15, $0x0, v1  }
0xbc: {  	s18 =	sand.u32 $0xFFFFFF80, s24;
	s26 =	simm.s32 $0x100;
	s13 =	sadd.s32 s4, s13;
	v1 =	vmin.u32 v1, $0x3F  }
0xbd: {  	s24 =	sand.u32 $0xC00, s26;
	s16 =	sand.u32 $0x3FFFFF80, s2;
	s14 =	sadd.s32 s18, s13;
	v2 =	vadd.f32 $5.000000000e-01, v2;
	v1 =	vmul.u32 $0x30000, v1  }
0xbe: {  	s15 =	sadd.s32 s24, s16;
	s13 =	sand.u32 $0x70, s22;
	s0 =	sor.u32 s0, s14  }
0xbf: {  	s24 =	sor.u32 s13, s15;
	v2 =	vtrunc.f32 v2;
	v4 =	vadd.s32 s0, v1  }
0xc0: {  	s29 =	simm.s32 $0x3;
	s14 =	simm.s32 $0x2;
	s15 =	simm.s32 $0x0;
	v3 =	vcvt.f32.s32 v2;
	v1 =	vld [tilespmem:s24+$0x4000];
	v2 =	vadd.s32 v0, v4  }
.LBB2_10:
0xc1: {  	p0 =	sne.s32 s29, $0xFF;
	s0 =	sand.u32 $0x3, s15;
	s16 =	smov.u32 s29  }
0xc2: {  	[tilespmem:s25+$0xA000] =	vst v2;
	s29 =	sadd.s32 $0x1, s29;
	s17 =	smov.u32 s13;
	s25 =	smov.u32 s28  }
0xc3: {  	s28 =	smov.u32 s24;
	s22 =	sadd.s32 $0x10, s22;
	vm0 =	vgt.s32 v3, $0x0;
	s0 =	sor.u32 s11, s0  }
0xc4: {  	s5 =	sand.u32 $0xFFFFFF80, s5;
	s26 =	sadd.s32 $0x80, s26;
	v2 =	vnsel vm0, $0x0, v3;
	s0 =	sshll.u32 s0, $0xA  }
.Ltmp4:
0xc5: {  	s15 =	sshll.u32 s16, $0x2;
	v2 =	vmin.u32 v2, $0x3F;
	s0 =	sadd.s32 s4, s0;
	(pc) =	sbr.rel @p0 .LBB2_10-.Ltmp4, $4  }
0xc6: {  	s18 =	sand.u32 $0xC00, s26;
	s24 =	sand.u32 $0x3FFFFF80, s15;
	v1 =	vadd.f32 $5.000000000e-01, v1;
	s0 =	sadd.s32 s5, s0;
	v2 =	vmul.u32 $0x30000, v2  }
0xc7: {  	s13 =	sand.u32 $0x70, s22;
	s5 =	sadd.s32 s18, s24;
	s0 =	sor.u32 s30, s0  }
0xc8: {  	s24 =	sor.u32 s13, s5;
	s5 =	smov.u32 s2;
	s2 =	smov.u32 s15;
	v3 =	vtrunc.f32 v1;
	v2 =	vadd.s32 s0, v2  }
0xc9: {  	s15 =	sshrl.u32 s14, $0x3;
	s14 =	smov.u32 s16;
	s30 =	smov.u32 s17;
	v1 =	vld [tilespmem:s24+$0x4000];
	v3 =	vcvt.f32.s32 v3;
	v2 =	vadd.s32 v0, v2  }
0xca: {  	_ =	sdelay $0x3  }
0xcb: {  	v1 =	vadd.f32 $5.000000000e-01, v1;
	_ =	sdelay $0x1  }
0xcc: {  	v1 =	vtrunc.f32 v1  }
0xcd: {  	s0 =	sand.u32 $0x3, s15;
	s14 =	sshrl.u32 s14, $0x3;
	v1 =	vcvt.f32.s32 v1  }
0xce: {  	vm0 =	vgt.s32 v3, $0x0;
	s0 =	sor.u32 s11, s0;
	s14 =	sand.u32 $0x3, s14  }
0xcf: {  	v3 =	vnsel vm0, $0x0, v3;
	s0 =	sshll.u32 s0, $0xA;
	s14 =	sor.u32 s11, s14;
	vm14 =	vgt.s32 v1, $0x0  }
0xd0: {  	s5 =	sand.u32 $0xFFFFFF80, s5;
	v3 =	vmin.u32 v3, $0x3F;
	s0 =	sadd.s32 s4, s0;
	s14 =	sshll.u32 s14, $0xA;
	v1 =	vnsel vm14, $0x0, v1  }
0xd1: {  	s2 =	sand.u32 $0xFFFFFF80, s2;
	s0 =	sadd.s32 s5, s0;
	v3 =	vmul.u32 $0x30000, v3;
	s15 =	sadd.s32 s4, s14;
	v1 =	vmin.u32 v1, $0x3F  }
0xd2: {  	s0 =	sor.u32 s30, s0;
	s2 =	sadd.s32 s2, s15;
	v1 =	vmul.u32 $0x30000, v1  }
0xd3: {  	v3 =	vadd.s32 s0, v3;
	s16 =	sor.u32 s13, s2  }
0xd4: {  	[tilespmem:s25+$0xA000] =	vst v2;
	v2 =	vadd.s32 v0, v3;
	v1 =	vadd.s32 s16, v1  }
0xd5: {  	s17 =	simm.s32 $0xA000;
	[tilespmem:s28+$0xA000] =	vst v2;
	v1 =	vadd.s32 v0, v1  }
0xd6: {  	s18 =	simm.s32 $0x10000;
	s22 =	simm.s32 $0x0;
	[tilespmem:s24+$0xA000] =	vst v1;
	s24 =	simm.s32 $0x0  }
0xd7: {  	[tilespmem:s18], [sflag:$0x1] =	stream.indirect.gather [hbm4b:s1+s20], $0x1, s17, s20, $0xb8;
	[tilespmem:$0x12000] =	vst v63  }
0xd8: {  	s25 =	sand.u32 $0xC00, s22;
	s26 =	sand.u32 $0x3FFFFF80, s24  }
0xd9: {  	s0 =	sand.u32 $0x70, s22;
	s5 =	sadd.s32 s25, s26  }
0xda: {  	s25 =	sor.u32 s0, s5  }
0xdb: {  	v1 =	vld [tilespmem:s25+$0x5000];
	_ =	sdelay $0x3  }
0xdc: {  	s14 =	simm.s32 $0x80;
	s5 =	simm.s32 $0x4  }
0xdd: {  	s15 =	simm.s32 $0x10;
	s13 =	sand.u32 $0xC00, s14;
	s16 =	sand.u32 $0x3FFFFF80, s5;
	v1 =	vadd.f32 $5.000000000e-01, v1  }
0xde: {  	s30 =	sand.u32 $0x70, s15;
	s13 =	sadd.s32 s13, s16  }
0xdf: {  	s28 =	sor.u32 s30, s13;
	v1 =	vtrunc.f32 v1  }
0xe0: {  	s17 =	simm.s32 $0x0;
	v2 =	vld [tilespmem:s28+$0x5000];
	v1 =	vcvt.f32.s32 v1  }
0xe1: {  	s13 =	sand.u32 $0x3, s17  }
0xe2: {  	s13 =	sor.u32 s12, s13;
	vm15 =	vgt.s32 v1, $0x0  }
0xe3: {  	s22 =	simm.s32 $0x20;
	s2 =	simm.s32 $0x8;
	s13 =	sshll.u32 s13, $0xA;
	v1 =	vnsel vm15, $0x0, v1  }
0xe4: {  	s18 =	sand.u32 $0xFFFFFF80, s24;
	s26 =	simm.s32 $0x100;
	s13 =	sadd.s32 s4, s13;
	v1 =	vmin.u32 v1, $0x3F  }
0xe5: {  	s24 =	sand.u32 $0xC00, s26;
	s16 =	sand.u32 $0x3FFFFF80, s2;
	s14 =	sadd.s32 s18, s13;
	v2 =	vadd.f32 $5.000000000e-01, v2;
	v1 =	vmul.u32 $0x30000, v1  }
0xe6: {  	s15 =	sadd.s32 s24, s16;
	s13 =	sand.u32 $0x70, s22;
	s0 =	sor.u32 s0, s14  }
0xe7: {  	s24 =	sor.u32 s13, s15;
	v2 =	vtrunc.f32 v2;
	v4 =	vadd.s32 s0, v1  }
0xe8: {  	s29 =	simm.s32 $0x3;
	s14 =	simm.s32 $0x2;
	s15 =	simm.s32 $0x0;
	v3 =	vcvt.f32.s32 v2;
	v1 =	vld [tilespmem:s24+$0x5000];
	v2 =	vadd.s32 v0, v4  }
.LBB2_12:
0xe9: {  	p0 =	sne.s32 s29, $0xFF;
	s0 =	sand.u32 $0x3, s15;
	s16 =	smov.u32 s29  }
0xea: {  	[tilespmem:s25+$0xB000] =	vst v2;
	s29 =	sadd.s32 $0x1, s29;
	s17 =	smov.u32 s13;
	s25 =	smov.u32 s28  }
0xeb: {  	s28 =	smov.u32 s24;
	s22 =	sadd.s32 $0x10, s22;
	vm0 =	vgt.s32 v3, $0x0;
	s0 =	sor.u32 s12, s0  }
0xec: {  	s5 =	sand.u32 $0xFFFFFF80, s5;
	s26 =	sadd.s32 $0x80, s26;
	v2 =	vnsel vm0, $0x0, v3;
	s0 =	sshll.u32 s0, $0xA  }
.Ltmp5:
0xed: {  	s15 =	sshll.u32 s16, $0x2;
	v2 =	vmin.u32 v2, $0x3F;
	s0 =	sadd.s32 s4, s0;
	(pc) =	sbr.rel @p0 .LBB2_12-.Ltmp5, $4  }
0xee: {  	s18 =	sand.u32 $0xC00, s26;
	s24 =	sand.u32 $0x3FFFFF80, s15;
	v1 =	vadd.f32 $5.000000000e-01, v1;
	s0 =	sadd.s32 s5, s0;
	v2 =	vmul.u32 $0x30000, v2  }
0xef: {  	s13 =	sand.u32 $0x70, s22;
	s5 =	sadd.s32 s18, s24;
	s0 =	sor.u32 s30, s0  }
0xf0: {  	s24 =	sor.u32 s13, s5;
	s5 =	smov.u32 s2;
	s2 =	smov.u32 s15;
	v3 =	vtrunc.f32 v1;
	v2 =	vadd.s32 s0, v2  }
0xf1: {  	s15 =	sshrl.u32 s14, $0x3;
	s14 =	smov.u32 s16;
	s30 =	smov.u32 s17;
	v1 =	vld [tilespmem:s24+$0x5000];
	v3 =	vcvt.f32.s32 v3;
	v2 =	vadd.s32 v0, v2  }
0xf2: {  	_ =	sdelay $0x3  }
0xf3: {  	v1 =	vadd.f32 $5.000000000e-01, v1;
	_ =	sdelay $0x1  }
0xf4: {  	v1 =	vtrunc.f32 v1  }
0xf5: {  	s0 =	sand.u32 $0x3, s15;
	s14 =	sshrl.u32 s14, $0x3;
	v1 =	vcvt.f32.s32 v1  }
0xf6: {  	vm0 =	vgt.s32 v3, $0x0;
	s0 =	sor.u32 s12, s0;
	s14 =	sand.u32 $0x3, s14  }
0xf7: {  	v3 =	vnsel vm0, $0x0, v3;
	s0 =	sshll.u32 s0, $0xA;
	s14 =	sor.u32 s12, s14;
	vm15 =	vgt.s32 v1, $0x0  }
0xf8: {  	s5 =	sand.u32 $0xFFFFFF80, s5;
	v3 =	vmin.u32 v3, $0x3F;
	s0 =	sadd.s32 s4, s0;
	s14 =	sshll.u32 s14, $0xA;
	v1 =	vnsel vm15, $0x0, v1  }
0xf9: {  	s2 =	sand.u32 $0xFFFFFF80, s2;
	s0 =	sadd.s32 s5, s0;
	v3 =	vmul.u32 $0x30000, v3;
	s29 =	sadd.s32 s4, s14;
	v1 =	vmin.u32 v1, $0x3F  }
0xfa: {  	s0 =	sor.u32 s30, s0;
	s2 =	sadd.s32 s2, s29;
	v1 =	vmul.u32 $0x30000, v1  }
0xfb: {  	v3 =	vadd.s32 s0, v3;
	s14 =	sor.u32 s13, s2  }
0xfc: {  	[tilespmem:s25+$0xB000] =	vst v2;
	v2 =	vadd.s32 v0, v3;
	v1 =	vadd.s32 s14, v1  }
0xfd: {  	[tilespmem:s28+$0xB000] =	vst v2;
	v1 =	vadd.s32 v0, v1  }
0xfe: {  	s15 =	simm.s32 $0xB000;
	s16 =	simm.s32 $0x11000;
	[tilespmem:s24+$0xB000] =	vst v1  }
0xff: {  	[tilespmem:s16], [sflag:$0x1] =	stream.indirect.gather [hbm4b:s1+s20], $0x1, s15, s20, $0xb8;
	[tilespmem:$0x12000] =	vst v63  }
0x100: {  	_ =	swait.ge [sflag:s21], $0x1000  }
0x101: {  	[sflag:s21] =	ssyncset.done $0x0  }
0x102: {  	s18 =	simm.s32 $0xC000;
	[sflag:s21] =	ssyncadd.s32 $0xFFFFF000  }
0x103: {  	[hbm4b:s10+s3] =	stream.linear.scatter [tilespmem:s18], [sflag:$0x2], $0x1000, $0x38;
	[tilespmem:$0x12000] =	vst v63  }
0x104: {  	_ =	swait.ge [sflag:s19], $0x1000  }
0x105: {  	[sflag:s19] =	ssyncset.done $0x0  }
0x106: {  	[sflag:s19] =	ssyncadd.s32 $0xFFFFF000  }
0x107: {  	_ =	swait.ge [sflag:s21], $0x1000  }
0x108: {  	[sflag:s21] =	ssyncset.done $0x0  }
0x109: {  	s17 =	rddreg [dreg:$0x5];
	[sflag:s21] =	ssyncadd.s32 $0xFFFFF000  }
0x10a: {  	[hbm4b:s17+s3] =	stream.linear.scatter [tilespmem:s31], [sflag:$0x2], $0x1000, $0x38;
	[tilespmem:$0x12000] =	vst v63  }
0x10b: {  	_ =	swait.ge [sflag:s19], $0x1000  }
0x10c: {  	[sflag:s19] =	ssyncset.done $0x0  }
0x10d: {  	[sflag:s19] =	ssyncadd.s32 $0xFFFFF000  }
0x10e: {  	_ =	swait.ge [sflag:s21], $0x1000  }
0x10f: {  	[sflag:s21] =	ssyncset.done $0x0  }
0x110: {  	s24 =	simm.s32 $0xE000;
	s22 =	rddreg [dreg:$0x6];
	[sflag:s21] =	ssyncadd.s32 $0xFFFFF000  }
0x111: {  	[hbm4b:s22+s3] =	stream.linear.scatter [tilespmem:s24], [sflag:$0x2], $0x1000, $0x38;
	[tilespmem:$0x12000] =	vst v63  }
0x112: {  	_ =	swait.ge [sflag:s19], $0x1000  }
0x113: {  	[sflag:s19] =	ssyncset.done $0x0  }
0x114: {  	[sflag:s19] =	ssyncadd.s32 $0xFFFFF000  }
0x115: {  	_ =	swait.ge [sflag:s21], $0x1000  }
0x116: {  	[sflag:s21] =	ssyncset.done $0x0  }
0x117: {  	s26 =	simm.s32 $0xF000;
	s25 =	rddreg [dreg:$0x7];
	[sflag:s21] =	ssyncadd.s32 $0xFFFFF000  }
0x118: {  	[hbm4b:s25+s3] =	stream.linear.scatter [tilespmem:s26], [sflag:$0x2], $0x1000, $0x38;
	[tilespmem:$0x12000] =	vst v63  }
0x119: {  	_ =	swait.ge [sflag:s19], $0x1000  }
0x11a: {  	[sflag:s19] =	ssyncset.done $0x0  }
0x11b: {  	[sflag:s19] =	ssyncadd.s32 $0xFFFFF000  }
0x11c: {  	_ =	swait.ge [sflag:s21], $0x1000  }
0x11d: {  	[sflag:s21] =	ssyncset.done $0x0  }
0x11e: {  	s29 =	simm.s32 $0x10000;
	s28 =	rddreg [dreg:$0x8];
	[sflag:s21] =	ssyncadd.s32 $0xFFFFF000  }
0x11f: {  	[hbm4b:s28+s3] =	stream.linear.scatter [tilespmem:s29], [sflag:$0x2], $0x1000, $0x38;
	[tilespmem:$0x12000] =	vst v63  }
0x120: {  	_ =	swait.ge [sflag:s19], $0x1000  }
0x121: {  	[sflag:s19] =	ssyncset.done $0x0  }
0x122: {  	[sflag:s19] =	ssyncadd.s32 $0xFFFFF000  }
0x123: {  	_ =	swait.ge [sflag:s21], $0x1000  }
0x124: {  	[sflag:s21] =	ssyncset.done $0x0  }
0x125: {  	s30 =	rddreg [dreg:$0x9];
	[sflag:s21] =	ssyncadd.s32 $0xFFFFF000  }
0x126: {  	[hbm4b:s30+s3] =	stream.linear.scatter [tilespmem:s16], [sflag:$0x2], $0x1000, $0x38;
	[tilespmem:$0x12000] =	vst v63  }
0x127: {  	_ =	swait.ge [sflag:s19], $0x1000  }
0x128: {  	s23 =	sadd.s32 $0x1, s23;
	s31 =	rddreg [dreg:$0xa]  }
0x129: {  	p0 =	sne.s32 s23, s31  }
.Ltmp6:
0x12a: {  	_ = 	snop;
	(pc) =	sbr.rel @p0 .LBB2_1-.Ltmp6, $3  }
0x12b: {  	_ =	sdelay $0x1  }
0x12c: {  	[sflag:s19] =	ssyncset.done $0x0  }
0x12d: {  	[sflag:s19] =	ssyncadd.s32 $0xFFFFF000  }
0x12e: {  	_ =	sfence.sel $0x180000  }
0x12f: {  	[bflag:$0x0] =	sbarrier.arrive $0xFFFF  }
0x130: {  	_ =	strace $0x90000047  }
0x131: {  	s0 =	stileid.u32;
	[bflag:$0x2] =	sbarrier.arrive $0xFFFF  }
0x132: {  	p0 =	sne.s32 s0, $0x0;
	s0 =	rddreg [dreg:$0x3]  }
0x133: {  	s0 =	sadd.s32 @!p0 $0x100000, s0  }
0x134: {  	[sflag:s0] =	ssyncadd.tile.s32 @!p0 $0x1;
	_ =	shalt  }
.Lfunc_end2:
_tile_overlayer_lowered:
.L_overlay_start_2:
0x135: {  	(tag) =	ssettag $0x2  }
0x136: {  	s0 =	rddreg [dreg:$0x0];
	s2 =	stileid.u32  }
0x137: {  	s1 =	rddreg [dreg:$0x1];
	p0 =	sne.s32 s2, $0x0  }
0x138: {  	s3 =	rddreg [dreg:$0x2];
	[bflag:$0x3] =	sbarrier.arrive $0xFFFF;
	s2 =	simm.s32 @!p0 $0x1C02  }
0x139: {  	[timem:s3], [sflag:s2] =	dma.local @!p0 [hbm:s0], s1  }
0x13a: {  	s0 =	simm.s32 @!p0 $0x2  }
0x13b: {  	_ =	swait.ge @!p0 [sflag:s0], s1  }
0x13c: {  	s1 =	ssub.s32 @!p0 $0x0, s1;
	[sflag:s0] =	ssyncset.done @!p0 $0x0  }
0x13d: {  	[sflag:s0] =	ssyncadd.s32 @!p0 s1  }
0x13e: {  	[bflag:$0x3] =	sbarrier.arrive $0xFFFF  }
0x13f: {  	_ =	shalt  }

</sc_bundles>
